<compile_context>
chip_gen: v7x
topology: tpu7x:2x2x1
jax: 0.10.2.dev20260603
libtpu: 0.0.44.dev20260713+nightly
codegen_flags: <defaults>
</compile_context>

<pallas_src>
import functools

import jax
import jax.numpy as jnp
from jax import lax
from jax.experimental import pallas as pl
from jax.experimental.pallas import tpu as pltpu
from jax.experimental.pallas import tpu_sc as plsc


CHUNK = 128


@functools.partial(jax.jit, static_argnums=(2, 3, 4))
def _embed_gather(idx, table, NC, NS, D):
    NW = NC * NS
    n_chunks = idx.shape[1]
    n_per_w = n_chunks * CHUNK
    N = NW * n_per_w
    mesh = plsc.VectorSubcoreMesh(core_axis_name="c", subcore_axis_name="s")
    NBUF = 8

    @functools.partial(
        pl.kernel,
        mesh=mesh,
        compiler_params=pltpu.CompilerParams(use_tc_tiling_on_sc=False),
        out_type=jax.ShapeDtypeStruct((N, 2 * D), jnp.float32),
        scratch_types=[
            pltpu.VMEM((n_chunks, CHUNK), jnp.int32),
            pltpu.VMEM((NBUF, CHUNK, D), jnp.float32),
        ]
        + [pltpu.SemaphoreType.DMA] * NBUF,
    )
    def k(idx_hbm, table_hbm, out_hbm, idx_v, rows_v, *gsems):
        wid = lax.axis_index("s") * NC + lax.axis_index("c")
        base = wid * n_per_w
        pltpu.sync_copy(idx_hbm.at[wid], idx_v)

        for b in range(NBUF):
            pltpu.async_copy(table_hbm.at[idx_v.at[b]], rows_v.at[b], gsems[b])

        def body(p, carry):
            for b in range(NBUF):
                j = p * NBUF + b
                pltpu.make_async_copy(
                    table_hbm.at[idx_v.at[j]], rows_v.at[b], gsems[b]
                ).wait()
                pltpu.sync_copy(
                    rows_v.at[b],
                    out_hbm.at[pl.ds(base + j * CHUNK, CHUNK), pl.ds(0, D)],
                )

                @pl.when(j + NBUF < n_chunks)
                def _():
                    pltpu.async_copy(
                        table_hbm.at[idx_v.at[j + NBUF]], rows_v.at[b], gsems[b]
                    )

            return carry

        lax.fori_loop(0, n_chunks // NBUF, body, 0)

    return k(idx, table)


def kernel(tokens, W_E):
    B, S = tokens.shape
    V, D = W_E.shape
    N = B * S
    info = plsc.get_sparse_core_info()
    NC, NS = info.num_cores, info.num_subcores
    NW = NC * NS
    n_per_w = N // NW
    n_chunks = n_per_w // CHUNK
    idx = tokens.astype(jnp.int32).reshape(NW, n_chunks, CHUNK)
    out128 = _embed_gather(idx, W_E, NC, NS, D)
    return out128[:, :D].reshape(B, S, D)

# --- scband reference (transcript-rebuilt; emitter-appended) ---
"""Pipeline reference for scband-embed-18442589569916 (READ-ONLY COPY).

The authoritative reference and input builder live on the scoring server;
editing this copy changes nothing except your own understanding.
"""

import jax, jax.numpy as jnp
import numpy as np

D_VOCAB = 1000000
D_MODEL = 64
BATCH = 4096
SEQ = 200

def setup_inputs(seed: int = 0) -> dict:
    key = jax.random.key(seed)
    k1, k2 = jax.random.split(key)
    tokens = jax.random.randint(k1, (BATCH, SEQ), 0, D_VOCAB, dtype=jnp.int64 if jax.config.jax_enable_x64 else jnp.int32)
    W_E = jax.random.normal(k2, (D_VOCAB, D_MODEL), dtype=jnp.float32) * 0.02
    return {"tokens": tokens, "W_E": W_E}

def reference(tokens, W_E):
    # Faithful translation of: return self.W_E[tokens, :]
    return jnp.take(W_E, tokens, axis=0)

if __name__ == "__main__":
    import jax
    _d = setup_inputs()
    print(jax.jit(kernel)(*tuple(_d.values())))

</pallas_src>

<mosaic_0001>
#map = affine_map<(d0, d1) -> (0, 0, 0)>
#map1 = affine_map<(d0, d1) -> (0, 0)>
module attributes {stable_mosaic.version = 14 : i64} {
  func.func @k(%arg0: i32, %arg1: i32, %arg2: memref<32x200x128xi32, #tpu.memory_space<hbm>>, %arg3: memref<1000000x64xf32, #tpu.memory_space<hbm>>, %arg4: memref<819200x128xf32, #tpu.memory_space<hbm>>, %arg5: memref<200x128xi32, #tpu.memory_space<vmem>>, %arg6: memref<8x128x64xf32, #tpu.memory_space<vmem>>, %arg7: memref<!tpu.dma_semaphore, #tpu.memory_space<semaphore_mem>>, %arg8: memref<!tpu.dma_semaphore, #tpu.memory_space<semaphore_mem>>, %arg9: memref<!tpu.dma_semaphore, #tpu.memory_space<semaphore_mem>>, %arg10: memref<!tpu.dma_semaphore, #tpu.memory_space<semaphore_mem>>, %arg11: memref<!tpu.dma_semaphore, #tpu.memory_space<semaphore_mem>>, %arg12: memref<!tpu.dma_semaphore, #tpu.memory_space<semaphore_mem>>, %arg13: memref<!tpu.dma_semaphore, #tpu.memory_space<semaphore_mem>>, %arg14: memref<!tpu.dma_semaphore, #tpu.memory_space<semaphore_mem>>) attributes {dimension_semantics = [#tpu.dimension_semantics<core_parallel>, #tpu.dimension_semantics<subcore_parallel>], iteration_bounds = array<i64: 2, 16>, scalar_prefetch = 0 : i64, scratch_operands = 10 : i64, tpu.core_type = #tpu.core_type<sc_vector_subcore>, window_params = [{transform_indices = #map}, {transform_indices = #map1}, {transform_indices = #map1}]} {
    %mul3A = arith.constant 2 : i32
    %mul3A_0 = arith.muli %arg1, %mul3A : i32
    %add3A = arith.addi %mul3A_0, %arg0 : i32
    %mul3A_1 = arith.constant 25600 : i32
    %mul3A_2 = arith.muli %add3A, %mul3A_1 : i32
    "tpu.region"() ({
      %run_scoped3A = tpu.sem_alloc : memref<!tpu.dma_semaphore, #tpu.memory_space<semaphore_mem>>
      %dma_start3A_103 = arith.constant 0 : i32
      %dma_start3A_104 = arith.constant 0 : i32
      %dma_start3A_105 = tpu.memref_slice %arg2[%add3A, %dma_start3A_103, %dma_start3A_104] : memref<32x200x128xi32, #tpu.memory_space<hbm>> -> memref<1x200x128xi32, #tpu.memory_space<hbm>>
      %dma_start3A_106 = tpu.memref_squeeze %dma_start3A_105 : memref<1x200x128xi32, #tpu.memory_space<hbm>> -> memref<200x128xi32, #tpu.memory_space<hbm>>
      %dma_start3A_107 = arith.constant 0 : i32
      %dma_start3A_108 = arith.constant 0 : i32
      %dma_start3A_109 = tpu.memref_slice %arg2[%add3A, %dma_start3A_107, %dma_start3A_108] : memref<32x200x128xi32, #tpu.memory_space<hbm>> -> memref<1x200x128xi32, #tpu.memory_space<hbm>>
      %dma_start3A_110 = tpu.memref_squeeze %dma_start3A_109 : memref<1x200x128xi32, #tpu.memory_space<hbm>> -> memref<200x128xi32, #tpu.memory_space<hbm>>
      tpu.enqueue_dma source(%dma_start3A_110 : memref<200x128xi32, #tpu.memory_space<hbm>>) target(%arg5 : memref<200x128xi32, #tpu.memory_space<vmem>>) target_semaphore(%run_scoped3A : memref<!tpu.dma_semaphore, #tpu.memory_space<semaphore_mem>>)
      %dma_wait3A = arith.constant 0 : i32
      %dma_wait3A_111 = arith.constant 0 : i32
      %dma_wait3A_112 = tpu.memref_slice %arg2[%add3A, %dma_wait3A, %dma_wait3A_111] : memref<32x200x128xi32, #tpu.memory_space<hbm>> -> memref<1x200x128xi32, #tpu.memory_space<hbm>>
      %dma_wait3A_113 = tpu.memref_squeeze %dma_wait3A_112 : memref<1x200x128xi32, #tpu.memory_space<hbm>> -> memref<200x128xi32, #tpu.memory_space<hbm>>
      %dma_wait3A_114 = arith.constant 0 : i32
      %dma_wait3A_115 = arith.constant 0 : i32
      %dma_wait3A_116 = tpu.memref_slice %arg2[%add3A, %dma_wait3A_114, %dma_wait3A_115] : memref<32x200x128xi32, #tpu.memory_space<hbm>> -> memref<1x200x128xi32, #tpu.memory_space<hbm>>
      %dma_wait3A_117 = tpu.memref_squeeze %dma_wait3A_116 : memref<1x200x128xi32, #tpu.memory_space<hbm>> -> memref<200x128xi32, #tpu.memory_space<hbm>>
      tpu.wait_dma2 semaphore(%run_scoped3A : memref<!tpu.dma_semaphore, #tpu.memory_space<semaphore_mem>>) src(%dma_wait3A_117 : memref<200x128xi32, #tpu.memory_space<hbm>>) dst(%arg5 : memref<200x128xi32, #tpu.memory_space<vmem>>)
      tpu.yield
    }) : () -> ()
    %dma_start3A = arith.constant 0 : i32
    %dma_start3A_3 = arith.constant 0 : i32
    %dma_start3A_4 = arith.constant 0 : i32
    %dma_start3A_5 = arith.constant 0 : i32
    %dma_start3A_6 = tpu.memref_slice %arg6[%dma_start3A_3, %dma_start3A_4, %dma_start3A_5] : memref<8x128x64xf32, #tpu.memory_space<vmem>> -> memref<1x128x64xf32, #tpu.memory_space<vmem>>
    %dma_start3A_7 = tpu.memref_squeeze %dma_start3A_6 : memref<1x128x64xf32, #tpu.memory_space<vmem>> -> memref<128x64xf32, #tpu.memory_space<vmem>>
    %dma_start3A_8 = arith.constant 0 : i32
    %dma_start3A_9 = tpu.memref_slice %arg5[%dma_start3A, %dma_start3A_8] : memref<200x128xi32, #tpu.memory_space<vmem>> -> memref<1x128xi32, #tpu.memory_space<vmem>>
    %dma_start3A_10 = tpu.memref_squeeze %dma_start3A_9 : memref<1x128xi32, #tpu.memory_space<vmem>> -> memref<128xi32, #tpu.memory_space<vmem>>
    %dma_start3A_11 = arith.constant 0 : i32
    %dma_start3A_12 = arith.constant 0 : i32
    %dma_start3A_13 = tpu.memref_slice %arg3[%dma_start3A_11, %dma_start3A_12] : memref<1000000x64xf32, #tpu.memory_space<hbm>> -> memref<1000000x64xf32, #tpu.memory_space<hbm>>
    tpu.enqueue_indirect_dma source(%dma_start3A_13 : memref<1000000x64xf32, #tpu.memory_space<hbm>>) target(%dma_start3A_7 : memref<128x64xf32, #tpu.memory_space<vmem>>) offsets(%dma_start3A_10 : memref<128xi32, #tpu.memory_space<vmem>>) semaphore(%arg7 : memref<!tpu.dma_semaphore, #tpu.memory_space<semaphore_mem>>)
    %dma_start3A_14 = arith.constant 1 : i32
    %dma_start3A_15 = arith.constant 1 : i32
    %dma_start3A_16 = arith.constant 0 : i32
    %dma_start3A_17 = arith.constant 0 : i32
    %dma_start3A_18 = tpu.memref_slice %arg6[%dma_start3A_15, %dma_start3A_16, %dma_start3A_17] : memref<8x128x64xf32, #tpu.memory_space<vmem>> -> memref<1x128x64xf32, #tpu.memory_space<vmem>>
    %dma_start3A_19 = tpu.memref_squeeze %dma_start3A_18 : memref<1x128x64xf32, #tpu.memory_space<vmem>> -> memref<128x64xf32, #tpu.memory_space<vmem>>
    %dma_start3A_20 = arith.constant 0 : i32
    %dma_start3A_21 = tpu.memref_slice %arg5[%dma_start3A_14, %dma_start3A_20] : memref<200x128xi32, #tpu.memory_space<vmem>> -> memref<1x128xi32, #tpu.memory_space<vmem>>
    %dma_start3A_22 = tpu.memref_squeeze %dma_start3A_21 : memref<1x128xi32, #tpu.memory_space<vmem>> -> memref<128xi32, #tpu.memory_space<vmem>>
    %dma_start3A_23 = arith.constant 0 : i32
    %dma_start3A_24 = arith.constant 0 : i32
    %dma_start3A_25 = tpu.memref_slice %arg3[%dma_start3A_23, %dma_start3A_24] : memref<1000000x64xf32, #tpu.memory_space<hbm>> -> memref<1000000x64xf32, #tpu.memory_space<hbm>>
    tpu.enqueue_indirect_dma source(%dma_start3A_25 : memref<1000000x64xf32, #tpu.memory_space<hbm>>) target(%dma_start3A_19 : memref<128x64xf32, #tpu.memory_space<vmem>>) offsets(%dma_start3A_22 : memref<128xi32, #tpu.memory_space<vmem>>) semaphore(%arg8 : memref<!tpu.dma_semaphore, #tpu.memory_space<semaphore_mem>>)
    %dma_start3A_26 = arith.constant 2 : i32
    %dma_start3A_27 = arith.constant 2 : i32
    %dma_start3A_28 = arith.constant 0 : i32
    %dma_start3A_29 = arith.constant 0 : i32
    %dma_start3A_30 = tpu.memref_slice %arg6[%dma_start3A_27, %dma_start3A_28, %dma_start3A_29] : memref<8x128x64xf32, #tpu.memory_space<vmem>> -> memref<1x128x64xf32, #tpu.memory_space<vmem>>
    %dma_start3A_31 = tpu.memref_squeeze %dma_start3A_30 : memref<1x128x64xf32, #tpu.memory_space<vmem>> -> memref<128x64xf32, #tpu.memory_space<vmem>>
    %dma_start3A_32 = arith.constant 0 : i32
    %dma_start3A_33 = tpu.memref_slice %arg5[%dma_start3A_26, %dma_start3A_32] : memref<200x128xi32, #tpu.memory_space<vmem>> -> memref<1x128xi32, #tpu.memory_space<vmem>>
    %dma_start3A_34 = tpu.memref_squeeze %dma_start3A_33 : memref<1x128xi32, #tpu.memory_space<vmem>> -> memref<128xi32, #tpu.memory_space<vmem>>
    %dma_start3A_35 = arith.constant 0 : i32
    %dma_start3A_36 = arith.constant 0 : i32
    %dma_start3A_37 = tpu.memref_slice %arg3[%dma_start3A_35, %dma_start3A_36] : memref<1000000x64xf32, #tpu.memory_space<hbm>> -> memref<1000000x64xf32, #tpu.memory_space<hbm>>
    tpu.enqueue_indirect_dma source(%dma_start3A_37 : memref<1000000x64xf32, #tpu.memory_space<hbm>>) target(%dma_start3A_31 : memref<128x64xf32, #tpu.memory_space<vmem>>) offsets(%dma_start3A_34 : memref<128xi32, #tpu.memory_space<vmem>>) semaphore(%arg9 : memref<!tpu.dma_semaphore, #tpu.memory_space<semaphore_mem>>)
    %dma_start3A_38 = arith.constant 3 : i32
    %dma_start3A_39 = arith.constant 3 : i32
    %dma_start3A_40 = arith.constant 0 : i32
    %dma_start3A_41 = arith.constant 0 : i32
    %dma_start3A_42 = tpu.memref_slice %arg6[%dma_start3A_39, %dma_start3A_40, %dma_start3A_41] : memref<8x128x64xf32, #tpu.memory_space<vmem>> -> memref<1x128x64xf32, #tpu.memory_space<vmem>>
    %dma_start3A_43 = tpu.memref_squeeze %dma_start3A_42 : memref<1x128x64xf32, #tpu.memory_space<vmem>> -> memref<128x64xf32, #tpu.memory_space<vmem>>
    %dma_start3A_44 = arith.constant 0 : i32
    %dma_start3A_45 = tpu.memref_slice %arg5[%dma_start3A_38, %dma_start3A_44] : memref<200x128xi32, #tpu.memory_space<vmem>> -> memref<1x128xi32, #tpu.memory_space<vmem>>
    %dma_start3A_46 = tpu.memref_squeeze %dma_start3A_45 : memref<1x128xi32, #tpu.memory_space<vmem>> -> memref<128xi32, #tpu.memory_space<vmem>>
    %dma_start3A_47 = arith.constant 0 : i32
    %dma_start3A_48 = arith.constant 0 : i32
    %dma_start3A_49 = tpu.memref_slice %arg3[%dma_start3A_47, %dma_start3A_48] : memref<1000000x64xf32, #tpu.memory_space<hbm>> -> memref<1000000x64xf32, #tpu.memory_space<hbm>>
    tpu.enqueue_indirect_dma source(%dma_start3A_49 : memref<1000000x64xf32, #tpu.memory_space<hbm>>) target(%dma_start3A_43 : memref<128x64xf32, #tpu.memory_space<vmem>>) offsets(%dma_start3A_46 : memref<128xi32, #tpu.memory_space<vmem>>) semaphore(%arg10 : memref<!tpu.dma_semaphore, #tpu.memory_space<semaphore_mem>>)
    %dma_start3A_50 = arith.constant 4 : i32
    %dma_start3A_51 = arith.constant 4 : i32
    %dma_start3A_52 = arith.constant 0 : i32
    %dma_start3A_53 = arith.constant 0 : i32
    %dma_start3A_54 = tpu.memref_slice %arg6[%dma_start3A_51, %dma_start3A_52, %dma_start3A_53] : memref<8x128x64xf32, #tpu.memory_space<vmem>> -> memref<1x128x64xf32, #tpu.memory_space<vmem>>
    %dma_start3A_55 = tpu.memref_squeeze %dma_start3A_54 : memref<1x128x64xf32, #tpu.memory_space<vmem>> -> memref<128x64xf32, #tpu.memory_space<vmem>>
    %dma_start3A_56 = arith.constant 0 : i32
    %dma_start3A_57 = tpu.memref_slice %arg5[%dma_start3A_50, %dma_start3A_56] : memref<200x128xi32, #tpu.memory_space<vmem>> -> memref<1x128xi32, #tpu.memory_space<vmem>>
    %dma_start3A_58 = tpu.memref_squeeze %dma_start3A_57 : memref<1x128xi32, #tpu.memory_space<vmem>> -> memref<128xi32, #tpu.memory_space<vmem>>
    %dma_start3A_59 = arith.constant 0 : i32
    %dma_start3A_60 = arith.constant 0 : i32
    %dma_start3A_61 = tpu.memref_slice %arg3[%dma_start3A_59, %dma_start3A_60] : memref<1000000x64xf32, #tpu.memory_space<hbm>> -> memref<1000000x64xf32, #tpu.memory_space<hbm>>
    tpu.enqueue_indirect_dma source(%dma_start3A_61 : memref<1000000x64xf32, #tpu.memory_space<hbm>>) target(%dma_start3A_55 : memref<128x64xf32, #tpu.memory_space<vmem>>) offsets(%dma_start3A_58 : memref<128xi32, #tpu.memory_space<vmem>>) semaphore(%arg11 : memref<!tpu.dma_semaphore, #tpu.memory_space<semaphore_mem>>)
    %dma_start3A_62 = arith.constant 5 : i32
    %dma_start3A_63 = arith.constant 5 : i32
    %dma_start3A_64 = arith.constant 0 : i32
    %dma_start3A_65 = arith.constant 0 : i32
    %dma_start3A_66 = tpu.memref_slice %arg6[%dma_start3A_63, %dma_start3A_64, %dma_start3A_65] : memref<8x128x64xf32, #tpu.memory_space<vmem>> -> memref<1x128x64xf32, #tpu.memory_space<vmem>>
    %dma_start3A_67 = tpu.memref_squeeze %dma_start3A_66 : memref<1x128x64xf32, #tpu.memory_space<vmem>> -> memref<128x64xf32, #tpu.memory_space<vmem>>
    %dma_start3A_68 = arith.constant 0 : i32
    %dma_start3A_69 = tpu.memref_slice %arg5[%dma_start3A_62, %dma_start3A_68] : memref<200x128xi32, #tpu.memory_space<vmem>> -> memref<1x128xi32, #tpu.memory_space<vmem>>
    %dma_start3A_70 = tpu.memref_squeeze %dma_start3A_69 : memref<1x128xi32, #tpu.memory_space<vmem>> -> memref<128xi32, #tpu.memory_space<vmem>>
    %dma_start3A_71 = arith.constant 0 : i32
    %dma_start3A_72 = arith.constant 0 : i32
    %dma_start3A_73 = tpu.memref_slice %arg3[%dma_start3A_71, %dma_start3A_72] : memref<1000000x64xf32, #tpu.memory_space<hbm>> -> memref<1000000x64xf32, #tpu.memory_space<hbm>>
    tpu.enqueue_indirect_dma source(%dma_start3A_73 : memref<1000000x64xf32, #tpu.memory_space<hbm>>) target(%dma_start3A_67 : memref<128x64xf32, #tpu.memory_space<vmem>>) offsets(%dma_start3A_70 : memref<128xi32, #tpu.memory_space<vmem>>) semaphore(%arg12 : memref<!tpu.dma_semaphore, #tpu.memory_space<semaphore_mem>>)
    %dma_start3A_74 = arith.constant 6 : i32
    %dma_start3A_75 = arith.constant 6 : i32
    %dma_start3A_76 = arith.constant 0 : i32
    %dma_start3A_77 = arith.constant 0 : i32
    %dma_start3A_78 = tpu.memref_slice %arg6[%dma_start3A_75, %dma_start3A_76, %dma_start3A_77] : memref<8x128x64xf32, #tpu.memory_space<vmem>> -> memref<1x128x64xf32, #tpu.memory_space<vmem>>
    %dma_start3A_79 = tpu.memref_squeeze %dma_start3A_78 : memref<1x128x64xf32, #tpu.memory_space<vmem>> -> memref<128x64xf32, #tpu.memory_space<vmem>>
    %dma_start3A_80 = arith.constant 0 : i32
    %dma_start3A_81 = tpu.memref_slice %arg5[%dma_start3A_74, %dma_start3A_80] : memref<200x128xi32, #tpu.memory_space<vmem>> -> memref<1x128xi32, #tpu.memory_space<vmem>>
    %dma_start3A_82 = tpu.memref_squeeze %dma_start3A_81 : memref<1x128xi32, #tpu.memory_space<vmem>> -> memref<128xi32, #tpu.memory_space<vmem>>
    %dma_start3A_83 = arith.constant 0 : i32
    %dma_start3A_84 = arith.constant 0 : i32
    %dma_start3A_85 = tpu.memref_slice %arg3[%dma_start3A_83, %dma_start3A_84] : memref<1000000x64xf32, #tpu.memory_space<hbm>> -> memref<1000000x64xf32, #tpu.memory_space<hbm>>
    tpu.enqueue_indirect_dma source(%dma_start3A_85 : memref<1000000x64xf32, #tpu.memory_space<hbm>>) target(%dma_start3A_79 : memref<128x64xf32, #tpu.memory_space<vmem>>) offsets(%dma_start3A_82 : memref<128xi32, #tpu.memory_space<vmem>>) semaphore(%arg13 : memref<!tpu.dma_semaphore, #tpu.memory_space<semaphore_mem>>)
    %dma_start3A_86 = arith.constant 7 : i32
    %dma_start3A_87 = arith.constant 7 : i32
    %dma_start3A_88 = arith.constant 0 : i32
    %dma_start3A_89 = arith.constant 0 : i32
    %dma_start3A_90 = tpu.memref_slice %arg6[%dma_start3A_87, %dma_start3A_88, %dma_start3A_89] : memref<8x128x64xf32, #tpu.memory_space<vmem>> -> memref<1x128x64xf32, #tpu.memory_space<vmem>>
    %dma_start3A_91 = tpu.memref_squeeze %dma_start3A_90 : memref<1x128x64xf32, #tpu.memory_space<vmem>> -> memref<128x64xf32, #tpu.memory_space<vmem>>
    %dma_start3A_92 = arith.constant 0 : i32
    %dma_start3A_93 = tpu.memref_slice %arg5[%dma_start3A_86, %dma_start3A_92] : memref<200x128xi32, #tpu.memory_space<vmem>> -> memref<1x128xi32, #tpu.memory_space<vmem>>
    %dma_start3A_94 = tpu.memref_squeeze %dma_start3A_93 : memref<1x128xi32, #tpu.memory_space<vmem>> -> memref<128xi32, #tpu.memory_space<vmem>>
    %dma_start3A_95 = arith.constant 0 : i32
    %dma_start3A_96 = arith.constant 0 : i32
    %dma_start3A_97 = tpu.memref_slice %arg3[%dma_start3A_95, %dma_start3A_96] : memref<1000000x64xf32, #tpu.memory_space<hbm>> -> memref<1000000x64xf32, #tpu.memory_space<hbm>>
    tpu.enqueue_indirect_dma source(%dma_start3A_97 : memref<1000000x64xf32, #tpu.memory_space<hbm>>) target(%dma_start3A_91 : memref<128x64xf32, #tpu.memory_space<vmem>>) offsets(%dma_start3A_94 : memref<128xi32, #tpu.memory_space<vmem>>) semaphore(%arg14 : memref<!tpu.dma_semaphore, #tpu.memory_space<semaphore_mem>>)
    %scan3A = arith.constant 0 : i32
    %scan3A_98 = arith.constant 0 : i32
    %scan3A_99 = arith.constant 25 : i32
    %scan3A_100 = arith.addi %scan3A_98, %scan3A_99 : i32
    %scan3A_101 = arith.constant 1 : i32
    scf.for %scan3A_103 = %scan3A_98 to %scan3A_100 step %scan3A_101  : i32 {
      %mul3A_104 = arith.constant 8 : i32
      %mul3A_105 = arith.muli %scan3A_103, %mul3A_104 : i32
      %add3A_106 = arith.constant 0 : i32
      %add3A_107 = arith.addi %mul3A_105, %add3A_106 : i32
      %dma_wait3A = arith.constant 0 : i32
      %dma_wait3A_108 = arith.constant 0 : i32
      %dma_wait3A_109 = arith.constant 0 : i32
      %dma_wait3A_110 = tpu.memref_slice %arg6[%dma_wait3A, %dma_wait3A_108, %dma_wait3A_109] : memref<8x128x64xf32, #tpu.memory_space<vmem>> -> memref<1x128x64xf32, #tpu.memory_space<vmem>>
      %dma_wait3A_111 = tpu.memref_squeeze %dma_wait3A_110 : memref<1x128x64xf32, #tpu.memory_space<vmem>> -> memref<128x64xf32, #tpu.memory_space<vmem>>
      %dma_wait3A_112 = arith.constant 0 : i32
      %dma_wait3A_113 = tpu.memref_slice %arg5[%add3A_107, %dma_wait3A_112] : memref<200x128xi32, #tpu.memory_space<vmem>> -> memref<1x128xi32, #tpu.memory_space<vmem>>
      %dma_wait3A_114 = tpu.memref_squeeze %dma_wait3A_113 : memref<1x128xi32, #tpu.memory_space<vmem>> -> memref<128xi32, #tpu.memory_space<vmem>>
      %dma_wait3A_115 = arith.constant 0 : i32
      %dma_wait3A_116 = arith.constant 0 : i32
      %dma_wait3A_117 = tpu.memref_slice %arg3[%dma_wait3A_115, %dma_wait3A_116] : memref<1000000x64xf32, #tpu.memory_space<hbm>> -> memref<1000000x64xf32, #tpu.memory_space<hbm>>
      tpu.wait_indirect_dma semaphore(%arg7 : memref<!tpu.dma_semaphore, #tpu.memory_space<semaphore_mem>>) src(%dma_wait3A_117 : memref<1000000x64xf32, #tpu.memory_space<hbm>>) dst(%dma_wait3A_111 : memref<128x64xf32, #tpu.memory_space<vmem>>)
      %mul3A_118 = arith.constant 128 : i32
      %mul3A_119 = arith.muli %add3A_107, %mul3A_118 : i32
      %add3A_120 = arith.addi %mul3A_2, %mul3A_119 : i32
      %run_scoped3A = arith.constant 0 : i32
      "tpu.region"() ({
        %run_scoped3A_307 = tpu.sem_alloc : memref<!tpu.dma_semaphore, #tpu.memory_space<semaphore_mem>>
        %dma_start3A_308 = arith.constant 0 : i32
        %dma_start3A_309 = arith.constant 0 : i32
        %dma_start3A_310 = tpu.memref_slice %arg6[%run_scoped3A, %dma_start3A_308, %dma_start3A_309] : memref<8x128x64xf32, #tpu.memory_space<vmem>> -> memref<1x128x64xf32, #tpu.memory_space<vmem>>
        %dma_start3A_311 = tpu.memref_squeeze %dma_start3A_310 : memref<1x128x64xf32, #tpu.memory_space<vmem>> -> memref<128x64xf32, #tpu.memory_space<vmem>>
        %dma_start3A_312 = arith.constant 0 : i32
        %dma_start3A_313 = tpu.memref_slice %arg4[%add3A_120, %dma_start3A_312] : memref<819200x128xf32, #tpu.memory_space<hbm>> -> memref<128x64xf32, #tpu.memory_space<hbm>>
        %dma_start3A_314 = arith.constant 0 : i32
        %dma_start3A_315 = tpu.memref_slice %arg4[%add3A_120, %dma_start3A_314] : memref<819200x128xf32, #tpu.memory_space<hbm>> -> memref<128x64xf32, #tpu.memory_space<hbm>>
        %dma_start3A_316 = arith.constant 0 : i32
        %dma_start3A_317 = arith.constant 0 : i32
        %dma_start3A_318 = tpu.memref_slice %arg6[%run_scoped3A, %dma_start3A_316, %dma_start3A_317] : memref<8x128x64xf32, #tpu.memory_space<vmem>> -> memref<1x128x64xf32, #tpu.memory_space<vmem>>
        %dma_start3A_319 = tpu.memref_squeeze %dma_start3A_318 : memref<1x128x64xf32, #tpu.memory_space<vmem>> -> memref<128x64xf32, #tpu.memory_space<vmem>>
        tpu.enqueue_dma source(%dma_start3A_319 : memref<128x64xf32, #tpu.memory_space<vmem>>) target(%dma_start3A_315 : memref<128x64xf32, #tpu.memory_space<hbm>>) target_semaphore(%run_scoped3A_307 : memref<!tpu.dma_semaphore, #tpu.memory_space<semaphore_mem>>)
        %dma_wait3A_320 = arith.constant 0 : i32
        %dma_wait3A_321 = arith.constant 0 : i32
        %dma_wait3A_322 = tpu.memref_slice %arg6[%run_scoped3A, %dma_wait3A_320, %dma_wait3A_321] : memref<8x128x64xf32, #tpu.memory_space<vmem>> -> memref<1x128x64xf32, #tpu.memory_space<vmem>>
        %dma_wait3A_323 = tpu.memref_squeeze %dma_wait3A_322 : memref<1x128x64xf32, #tpu.memory_space<vmem>> -> memref<128x64xf32, #tpu.memory_space<vmem>>
        %dma_wait3A_324 = arith.constant 0 : i32
        %dma_wait3A_325 = tpu.memref_slice %arg4[%add3A_120, %dma_wait3A_324] : memref<819200x128xf32, #tpu.memory_space<hbm>> -> memref<128x64xf32, #tpu.memory_space<hbm>>
        %dma_wait3A_326 = arith.constant 0 : i32
        %dma_wait3A_327 = tpu.memref_slice %arg4[%add3A_120, %dma_wait3A_326] : memref<819200x128xf32, #tpu.memory_space<hbm>> -> memref<128x64xf32, #tpu.memory_space<hbm>>
        %dma_wait3A_328 = arith.constant 0 : i32
        %dma_wait3A_329 = arith.constant 0 : i32
        %dma_wait3A_330 = tpu.memref_slice %arg6[%run_scoped3A, %dma_wait3A_328, %dma_wait3A_329] : memref<8x128x64xf32, #tpu.memory_space<vmem>> -> memref<1x128x64xf32, #tpu.memory_space<vmem>>
        %dma_wait3A_331 = tpu.memref_squeeze %dma_wait3A_330 : memref<1x128x64xf32, #tpu.memory_space<vmem>> -> memref<128x64xf32, #tpu.memory_space<vmem>>
        tpu.wait_dma2 semaphore(%run_scoped3A_307 : memref<!tpu.dma_semaphore, #tpu.memory_space<semaphore_mem>>) src(%dma_wait3A_331 : memref<128x64xf32, #tpu.memory_space<vmem>>) dst(%dma_wait3A_327 : memref<128x64xf32, #tpu.memory_space<hbm>>)
        tpu.yield
      }) : () -> ()
      %add3A_121 = arith.constant 8 : i32
      %add3A_122 = arith.addi %add3A_107, %add3A_121 : i32
      %lt3A = arith.constant 200 : i32
      %lt3A_123 = arith.cmpi slt, %add3A_122, %lt3A : i32
      %convert_element_type3A = arith.extui %lt3A_123 : i1 to i32
      %cond3A = arith.constant 0 : i32
      %cond3A_124 = arith.cmpi ne, %convert_element_type3A, %cond3A : i32
      scf.if %cond3A_124 {
        %add3A_307 = arith.constant 8 : i32
        %add3A_308 = arith.addi %add3A_107, %add3A_307 : i32
        %dma_start3A_309 = arith.constant 0 : i32
        %dma_start3A_310 = arith.constant 0 : i32
        %dma_start3A_311 = arith.constant 0 : i32
        %dma_start3A_312 = tpu.memref_slice %arg6[%dma_start3A_309, %dma_start3A_310, %dma_start3A_311] : memref<8x128x64xf32, #tpu.memory_space<vmem>> -> memref<1x128x64xf32, #tpu.memory_space<vmem>>
        %dma_start3A_313 = tpu.memref_squeeze %dma_start3A_312 : memref<1x128x64xf32, #tpu.memory_space<vmem>> -> memref<128x64xf32, #tpu.memory_space<vmem>>
        %dma_start3A_314 = arith.constant 0 : i32
        %dma_start3A_315 = tpu.memref_slice %arg5[%add3A_308, %dma_start3A_314] : memref<200x128xi32, #tpu.memory_space<vmem>> -> memref<1x128xi32, #tpu.memory_space<vmem>>
        %dma_start3A_316 = tpu.memref_squeeze %dma_start3A_315 : memref<1x128xi32, #tpu.memory_space<vmem>> -> memref<128xi32, #tpu.memory_space<vmem>>
        %dma_start3A_317 = arith.constant 0 : i32
        %dma_start3A_318 = arith.constant 0 : i32
        %dma_start3A_319 = tpu.memref_slice %arg3[%dma_start3A_317, %dma_start3A_318] : memref<1000000x64xf32, #tpu.memory_space<hbm>> -> memref<1000000x64xf32, #tpu.memory_space<hbm>>
        tpu.enqueue_indirect_dma source(%dma_start3A_319 : memref<1000000x64xf32, #tpu.memory_space<hbm>>) target(%dma_start3A_313 : memref<128x64xf32, #tpu.memory_space<vmem>>) offsets(%dma_start3A_316 : memref<128xi32, #tpu.memory_space<vmem>>) semaphore(%arg7 : memref<!tpu.dma_semaphore, #tpu.memory_space<semaphore_mem>>)
      } else {
      }
      %mul3A_125 = arith.constant 8 : i32
      %mul3A_126 = arith.muli %scan3A_103, %mul3A_125 : i32
      %add3A_127 = arith.constant 1 : i32
      %add3A_128 = arith.addi %mul3A_126, %add3A_127 : i32
      %dma_wait3A_129 = arith.constant 1 : i32
      %dma_wait3A_130 = arith.constant 0 : i32
      %dma_wait3A_131 = arith.constant 0 : i32
      %dma_wait3A_132 = tpu.memref_slice %arg6[%dma_wait3A_129, %dma_wait3A_130, %dma_wait3A_131] : memref<8x128x64xf32, #tpu.memory_space<vmem>> -> memref<1x128x64xf32, #tpu.memory_space<vmem>>
      %dma_wait3A_133 = tpu.memref_squeeze %dma_wait3A_132 : memref<1x128x64xf32, #tpu.memory_space<vmem>> -> memref<128x64xf32, #tpu.memory_space<vmem>>
      %dma_wait3A_134 = arith.constant 0 : i32
      %dma_wait3A_135 = tpu.memref_slice %arg5[%add3A_128, %dma_wait3A_134] : memref<200x128xi32, #tpu.memory_space<vmem>> -> memref<1x128xi32, #tpu.memory_space<vmem>>
      %dma_wait3A_136 = tpu.memref_squeeze %dma_wait3A_135 : memref<1x128xi32, #tpu.memory_space<vmem>> -> memref<128xi32, #tpu.memory_space<vmem>>
      %dma_wait3A_137 = arith.constant 0 : i32
      %dma_wait3A_138 = arith.constant 0 : i32
      %dma_wait3A_139 = tpu.memref_slice %arg3[%dma_wait3A_137, %dma_wait3A_138] : memref<1000000x64xf32, #tpu.memory_space<hbm>> -> memref<1000000x64xf32, #tpu.memory_space<hbm>>
      tpu.wait_indirect_dma semaphore(%arg8 : memref<!tpu.dma_semaphore, #tpu.memory_space<semaphore_mem>>) src(%dma_wait3A_139 : memref<1000000x64xf32, #tpu.memory_space<hbm>>) dst(%dma_wait3A_133 : memref<128x64xf32, #tpu.memory_space<vmem>>)
      %mul3A_140 = arith.constant 128 : i32
      %mul3A_141 = arith.muli %add3A_128, %mul3A_140 : i32
      %add3A_142 = arith.addi %mul3A_2, %mul3A_141 : i32
      %run_scoped3A_143 = arith.constant 1 : i32
      "tpu.region"() ({
        %run_scoped3A_307 = tpu.sem_alloc : memref<!tpu.dma_semaphore, #tpu.memory_space<semaphore_mem>>
        %dma_start3A_308 = arith.constant 0 : i32
        %dma_start3A_309 = arith.constant 0 : i32
        %dma_start3A_310 = tpu.memref_slice %arg6[%run_scoped3A_143, %dma_start3A_308, %dma_start3A_309] : memref<8x128x64xf32, #tpu.memory_space<vmem>> -> memref<1x128x64xf32, #tpu.memory_space<vmem>>
        %dma_start3A_311 = tpu.memref_squeeze %dma_start3A_310 : memref<1x128x64xf32, #tpu.memory_space<vmem>> -> memref<128x64xf32, #tpu.memory_space<vmem>>
        %dma_start3A_312 = arith.constant 0 : i32
        %dma_start3A_313 = tpu.memref_slice %arg4[%add3A_142, %dma_start3A_312] : memref<819200x128xf32, #tpu.memory_space<hbm>> -> memref<128x64xf32, #tpu.memory_space<hbm>>
        %dma_start3A_314 = arith.constant 0 : i32
        %dma_start3A_315 = tpu.memref_slice %arg4[%add3A_142, %dma_start3A_314] : memref<819200x128xf32, #tpu.memory_space<hbm>> -> memref<128x64xf32, #tpu.memory_space<hbm>>
        %dma_start3A_316 = arith.constant 0 : i32
        %dma_start3A_317 = arith.constant 0 : i32
        %dma_start3A_318 = tpu.memref_slice %arg6[%run_scoped3A_143, %dma_start3A_316, %dma_start3A_317] : memref<8x128x64xf32, #tpu.memory_space<vmem>> -> memref<1x128x64xf32, #tpu.memory_space<vmem>>
        %dma_start3A_319 = tpu.memref_squeeze %dma_start3A_318 : memref<1x128x64xf32, #tpu.memory_space<vmem>> -> memref<128x64xf32, #tpu.memory_space<vmem>>
        tpu.enqueue_dma source(%dma_start3A_319 : memref<128x64xf32, #tpu.memory_space<vmem>>) target(%dma_start3A_315 : memref<128x64xf32, #tpu.memory_space<hbm>>) target_semaphore(%run_scoped3A_307 : memref<!tpu.dma_semaphore, #tpu.memory_space<semaphore_mem>>)
        %dma_wait3A_320 = arith.constant 0 : i32
        %dma_wait3A_321 = arith.constant 0 : i32
        %dma_wait3A_322 = tpu.memref_slice %arg6[%run_scoped3A_143, %dma_wait3A_320, %dma_wait3A_321] : memref<8x128x64xf32, #tpu.memory_space<vmem>> -> memref<1x128x64xf32, #tpu.memory_space<vmem>>
        %dma_wait3A_323 = tpu.memref_squeeze %dma_wait3A_322 : memref<1x128x64xf32, #tpu.memory_space<vmem>> -> memref<128x64xf32, #tpu.memory_space<vmem>>
        %dma_wait3A_324 = arith.constant 0 : i32
        %dma_wait3A_325 = tpu.memref_slice %arg4[%add3A_142, %dma_wait3A_324] : memref<819200x128xf32, #tpu.memory_space<hbm>> -> memref<128x64xf32, #tpu.memory_space<hbm>>
        %dma_wait3A_326 = arith.constant 0 : i32
        %dma_wait3A_327 = tpu.memref_slice %arg4[%add3A_142, %dma_wait3A_326] : memref<819200x128xf32, #tpu.memory_space<hbm>> -> memref<128x64xf32, #tpu.memory_space<hbm>>
        %dma_wait3A_328 = arith.constant 0 : i32
        %dma_wait3A_329 = arith.constant 0 : i32
        %dma_wait3A_330 = tpu.memref_slice %arg6[%run_scoped3A_143, %dma_wait3A_328, %dma_wait3A_329] : memref<8x128x64xf32, #tpu.memory_space<vmem>> -> memref<1x128x64xf32, #tpu.memory_space<vmem>>
        %dma_wait3A_331 = tpu.memref_squeeze %dma_wait3A_330 : memref<1x128x64xf32, #tpu.memory_space<vmem>> -> memref<128x64xf32, #tpu.memory_space<vmem>>
        tpu.wait_dma2 semaphore(%run_scoped3A_307 : memref<!tpu.dma_semaphore, #tpu.memory_space<semaphore_mem>>) src(%dma_wait3A_331 : memref<128x64xf32, #tpu.memory_space<vmem>>) dst(%dma_wait3A_327 : memref<128x64xf32, #tpu.memory_space<hbm>>)
        tpu.yield
      }) : () -> ()
      %add3A_144 = arith.constant 8 : i32
      %add3A_145 = arith.addi %add3A_128, %add3A_144 : i32
      %lt3A_146 = arith.constant 200 : i32
      %lt3A_147 = arith.cmpi slt, %add3A_145, %lt3A_146 : i32
      %convert_element_type3A_148 = arith.extui %lt3A_147 : i1 to i32
      %cond3A_149 = arith.constant 0 : i32
      %cond3A_150 = arith.cmpi ne, %convert_element_type3A_148, %cond3A_149 : i32
      scf.if %cond3A_150 {
        %add3A_307 = arith.constant 8 : i32
        %add3A_308 = arith.addi %add3A_128, %add3A_307 : i32
        %dma_start3A_309 = arith.constant 1 : i32
        %dma_start3A_310 = arith.constant 0 : i32
        %dma_start3A_311 = arith.constant 0 : i32
        %dma_start3A_312 = tpu.memref_slice %arg6[%dma_start3A_309, %dma_start3A_310, %dma_start3A_311] : memref<8x128x64xf32, #tpu.memory_space<vmem>> -> memref<1x128x64xf32, #tpu.memory_space<vmem>>
        %dma_start3A_313 = tpu.memref_squeeze %dma_start3A_312 : memref<1x128x64xf32, #tpu.memory_space<vmem>> -> memref<128x64xf32, #tpu.memory_space<vmem>>
        %dma_start3A_314 = arith.constant 0 : i32
        %dma_start3A_315 = tpu.memref_slice %arg5[%add3A_308, %dma_start3A_314] : memref<200x128xi32, #tpu.memory_space<vmem>> -> memref<1x128xi32, #tpu.memory_space<vmem>>
        %dma_start3A_316 = tpu.memref_squeeze %dma_start3A_315 : memref<1x128xi32, #tpu.memory_space<vmem>> -> memref<128xi32, #tpu.memory_space<vmem>>
        %dma_start3A_317 = arith.constant 0 : i32
        %dma_start3A_318 = arith.constant 0 : i32
        %dma_start3A_319 = tpu.memref_slice %arg3[%dma_start3A_317, %dma_start3A_318] : memref<1000000x64xf32, #tpu.memory_space<hbm>> -> memref<1000000x64xf32, #tpu.memory_space<hbm>>
        tpu.enqueue_indirect_dma source(%dma_start3A_319 : memref<1000000x64xf32, #tpu.memory_space<hbm>>) target(%dma_start3A_313 : memref<128x64xf32, #tpu.memory_space<vmem>>) offsets(%dma_start3A_316 : memref<128xi32, #tpu.memory_space<vmem>>) semaphore(%arg8 : memref<!tpu.dma_semaphore, #tpu.memory_space<semaphore_mem>>)
      } else {
      }
      %mul3A_151 = arith.constant 8 : i32
      %mul3A_152 = arith.muli %scan3A_103, %mul3A_151 : i32
      %add3A_153 = arith.constant 2 : i32
      %add3A_154 = arith.addi %mul3A_152, %add3A_153 : i32
      %dma_wait3A_155 = arith.constant 2 : i32
      %dma_wait3A_156 = arith.constant 0 : i32
      %dma_wait3A_157 = arith.constant 0 : i32
      %dma_wait3A_158 = tpu.memref_slice %arg6[%dma_wait3A_155, %dma_wait3A_156, %dma_wait3A_157] : memref<8x128x64xf32, #tpu.memory_space<vmem>> -> memref<1x128x64xf32, #tpu.memory_space<vmem>>
      %dma_wait3A_159 = tpu.memref_squeeze %dma_wait3A_158 : memref<1x128x64xf32, #tpu.memory_space<vmem>> -> memref<128x64xf32, #tpu.memory_space<vmem>>
      %dma_wait3A_160 = arith.constant 0 : i32
      %dma_wait3A_161 = tpu.memref_slice %arg5[%add3A_154, %dma_wait3A_160] : memref<200x128xi32, #tpu.memory_space<vmem>> -> memref<1x128xi32, #tpu.memory_space<vmem>>
      %dma_wait3A_162 = tpu.memref_squeeze %dma_wait3A_161 : memref<1x128xi32, #tpu.memory_space<vmem>> -> memref<128xi32, #tpu.memory_space<vmem>>
      %dma_wait3A_163 = arith.constant 0 : i32
      %dma_wait3A_164 = arith.constant 0 : i32
      %dma_wait3A_165 = tpu.memref_slice %arg3[%dma_wait3A_163, %dma_wait3A_164] : memref<1000000x64xf32, #tpu.memory_space<hbm>> -> memref<1000000x64xf32, #tpu.memory_space<hbm>>
      tpu.wait_indirect_dma semaphore(%arg9 : memref<!tpu.dma_semaphore, #tpu.memory_space<semaphore_mem>>) src(%dma_wait3A_165 : memref<1000000x64xf32, #tpu.memory_space<hbm>>) dst(%dma_wait3A_159 : memref<128x64xf32, #tpu.memory_space<vmem>>)
      %mul3A_166 = arith.constant 128 : i32
      %mul3A_167 = arith.muli %add3A_154, %mul3A_166 : i32
      %add3A_168 = arith.addi %mul3A_2, %mul3A_167 : i32
      %run_scoped3A_169 = arith.constant 2 : i32
      "tpu.region"() ({
        %run_scoped3A_307 = tpu.sem_alloc : memref<!tpu.dma_semaphore, #tpu.memory_space<semaphore_mem>>
        %dma_start3A_308 = arith.constant 0 : i32
        %dma_start3A_309 = arith.constant 0 : i32
        %dma_start3A_310 = tpu.memref_slice %arg6[%run_scoped3A_169, %dma_start3A_308, %dma_start3A_309] : memref<8x128x64xf32, #tpu.memory_space<vmem>> -> memref<1x128x64xf32, #tpu.memory_space<vmem>>
        %dma_start3A_311 = tpu.memref_squeeze %dma_start3A_310 : memref<1x128x64xf32, #tpu.memory_space<vmem>> -> memref<128x64xf32, #tpu.memory_space<vmem>>
        %dma_start3A_312 = arith.constant 0 : i32
        %dma_start3A_313 = tpu.memref_slice %arg4[%add3A_168, %dma_start3A_312] : memref<819200x128xf32, #tpu.memory_space<hbm>> -> memref<128x64xf32, #tpu.memory_space<hbm>>
        %dma_start3A_314 = arith.constant 0 : i32
        %dma_start3A_315 = tpu.memref_slice %arg4[%add3A_168, %dma_start3A_314] : memref<819200x128xf32, #tpu.memory_space<hbm>> -> memref<128x64xf32, #tpu.memory_space<hbm>>
        %dma_start3A_316 = arith.constant 0 : i32
        %dma_start3A_317 = arith.constant 0 : i32
        %dma_start3A_318 = tpu.memref_slice %arg6[%run_scoped3A_169, %dma_start3A_316, %dma_start3A_317] : memref<8x128x64xf32, #tpu.memory_space<vmem>> -> memref<1x128x64xf32, #tpu.memory_space<vmem>>
        %dma_start3A_319 = tpu.memref_squeeze %dma_start3A_318 : memref<1x128x64xf32, #tpu.memory_space<vmem>> -> memref<128x64xf32, #tpu.memory_space<vmem>>
        tpu.enqueue_dma source(%dma_start3A_319 : memref<128x64xf32, #tpu.memory_space<vmem>>) target(%dma_start3A_315 : memref<128x64xf32, #tpu.memory_space<hbm>>) target_semaphore(%run_scoped3A_307 : memref<!tpu.dma_semaphore, #tpu.memory_space<semaphore_mem>>)
        %dma_wait3A_320 = arith.constant 0 : i32
        %dma_wait3A_321 = arith.constant 0 : i32
        %dma_wait3A_322 = tpu.memref_slice %arg6[%run_scoped3A_169, %dma_wait3A_320, %dma_wait3A_321] : memref<8x128x64xf32, #tpu.memory_space<vmem>> -> memref<1x128x64xf32, #tpu.memory_space<vmem>>
        %dma_wait3A_323 = tpu.memref_squeeze %dma_wait3A_322 : memref<1x128x64xf32, #tpu.memory_space<vmem>> -> memref<128x64xf32, #tpu.memory_space<vmem>>
        %dma_wait3A_324 = arith.constant 0 : i32
        %dma_wait3A_325 = tpu.memref_slice %arg4[%add3A_168, %dma_wait3A_324] : memref<819200x128xf32, #tpu.memory_space<hbm>> -> memref<128x64xf32, #tpu.memory_space<hbm>>
        %dma_wait3A_326 = arith.constant 0 : i32
        %dma_wait3A_327 = tpu.memref_slice %arg4[%add3A_168, %dma_wait3A_326] : memref<819200x128xf32, #tpu.memory_space<hbm>> -> memref<128x64xf32, #tpu.memory_space<hbm>>
        %dma_wait3A_328 = arith.constant 0 : i32
        %dma_wait3A_329 = arith.constant 0 : i32
        %dma_wait3A_330 = tpu.memref_slice %arg6[%run_scoped3A_169, %dma_wait3A_328, %dma_wait3A_329] : memref<8x128x64xf32, #tpu.memory_space<vmem>> -> memref<1x128x64xf32, #tpu.memory_space<vmem>>
        %dma_wait3A_331 = tpu.memref_squeeze %dma_wait3A_330 : memref<1x128x64xf32, #tpu.memory_space<vmem>> -> memref<128x64xf32, #tpu.memory_space<vmem>>
        tpu.wait_dma2 semaphore(%run_scoped3A_307 : memref<!tpu.dma_semaphore, #tpu.memory_space<semaphore_mem>>) src(%dma_wait3A_331 : memref<128x64xf32, #tpu.memory_space<vmem>>) dst(%dma_wait3A_327 : memref<128x64xf32, #tpu.memory_space<hbm>>)
        tpu.yield
      }) : () -> ()
      %add3A_170 = arith.constant 8 : i32
      %add3A_171 = arith.addi %add3A_154, %add3A_170 : i32
      %lt3A_172 = arith.constant 200 : i32
      %lt3A_173 = arith.cmpi slt, %add3A_171, %lt3A_172 : i32
      %convert_element_type3A_174 = arith.extui %lt3A_173 : i1 to i32
      %cond3A_175 = arith.constant 0 : i32
      %cond3A_176 = arith.cmpi ne, %convert_element_type3A_174, %cond3A_175 : i32
      scf.if %cond3A_176 {
        %add3A_307 = arith.constant 8 : i32
        %add3A_308 = arith.addi %add3A_154, %add3A_307 : i32
        %dma_start3A_309 = arith.constant 2 : i32
        %dma_start3A_310 = arith.constant 0 : i32
        %dma_start3A_311 = arith.constant 0 : i32
        %dma_start3A_312 = tpu.memref_slice %arg6[%dma_start3A_309, %dma_start3A_310, %dma_start3A_311] : memref<8x128x64xf32, #tpu.memory_space<vmem>> -> memref<1x128x64xf32, #tpu.memory_space<vmem>>
        %dma_start3A_313 = tpu.memref_squeeze %dma_start3A_312 : memref<1x128x64xf32, #tpu.memory_space<vmem>> -> memref<128x64xf32, #tpu.memory_space<vmem>>
        %dma_start3A_314 = arith.constant 0 : i32
        %dma_start3A_315 = tpu.memref_slice %arg5[%add3A_308, %dma_start3A_314] : memref<200x128xi32, #tpu.memory_space<vmem>> -> memref<1x128xi32, #tpu.memory_space<vmem>>
        %dma_start3A_316 = tpu.memref_squeeze %dma_start3A_315 : memref<1x128xi32, #tpu.memory_space<vmem>> -> memref<128xi32, #tpu.memory_space<vmem>>
        %dma_start3A_317 = arith.constant 0 : i32
        %dma_start3A_318 = arith.constant 0 : i32
        %dma_start3A_319 = tpu.memref_slice %arg3[%dma_start3A_317, %dma_start3A_318] : memref<1000000x64xf32, #tpu.memory_space<hbm>> -> memref<1000000x64xf32, #tpu.memory_space<hbm>>
        tpu.enqueue_indirect_dma source(%dma_start3A_319 : memref<1000000x64xf32, #tpu.memory_space<hbm>>) target(%dma_start3A_313 : memref<128x64xf32, #tpu.memory_space<vmem>>) offsets(%dma_start3A_316 : memref<128xi32, #tpu.memory_space<vmem>>) semaphore(%arg9 : memref<!tpu.dma_semaphore, #tpu.memory_space<semaphore_mem>>)
      } else {
      }
      %mul3A_177 = arith.constant 8 : i32
      %mul3A_178 = arith.muli %scan3A_103, %mul3A_177 : i32
      %add3A_179 = arith.constant 3 : i32
      %add3A_180 = arith.addi %mul3A_178, %add3A_179 : i32
      %dma_wait3A_181 = arith.constant 3 : i32
      %dma_wait3A_182 = arith.constant 0 : i32
      %dma_wait3A_183 = arith.constant 0 : i32
      %dma_wait3A_184 = tpu.memref_slice %arg6[%dma_wait3A_181, %dma_wait3A_182, %dma_wait3A_183] : memref<8x128x64xf32, #tpu.memory_space<vmem>> -> memref<1x128x64xf32, #tpu.memory_space<vmem>>
      %dma_wait3A_185 = tpu.memref_squeeze %dma_wait3A_184 : memref<1x128x64xf32, #tpu.memory_space<vmem>> -> memref<128x64xf32, #tpu.memory_space<vmem>>
      %dma_wait3A_186 = arith.constant 0 : i32
      %dma_wait3A_187 = tpu.memref_slice %arg5[%add3A_180, %dma_wait3A_186] : memref<200x128xi32, #tpu.memory_space<vmem>> -> memref<1x128xi32, #tpu.memory_space<vmem>>
      %dma_wait3A_188 = tpu.memref_squeeze %dma_wait3A_187 : memref<1x128xi32, #tpu.memory_space<vmem>> -> memref<128xi32, #tpu.memory_space<vmem>>
      %dma_wait3A_189 = arith.constant 0 : i32
      %dma_wait3A_190 = arith.constant 0 : i32
      %dma_wait3A_191 = tpu.memref_slice %arg3[%dma_wait3A_189, %dma_wait3A_190] : memref<1000000x64xf32, #tpu.memory_space<hbm>> -> memref<1000000x64xf32, #tpu.memory_space<hbm>>
      tpu.wait_indirect_dma semaphore(%arg10 : memref<!tpu.dma_semaphore, #tpu.memory_space<semaphore_mem>>) src(%dma_wait3A_191 : memref<1000000x64xf32, #tpu.memory_space<hbm>>) dst(%dma_wait3A_185 : memref<128x64xf32, #tpu.memory_space<vmem>>)
      %mul3A_192 = arith.constant 128 : i32
      %mul3A_193 = arith.muli %add3A_180, %mul3A_192 : i32
      %add3A_194 = arith.addi %mul3A_2, %mul3A_193 : i32
      %run_scoped3A_195 = arith.constant 3 : i32
      "tpu.region"() ({
        %run_scoped3A_307 = tpu.sem_alloc : memref<!tpu.dma_semaphore, #tpu.memory_space<semaphore_mem>>
        %dma_start3A_308 = arith.constant 0 : i32
        %dma_start3A_309 = arith.constant 0 : i32
        %dma_start3A_310 = tpu.memref_slice %arg6[%run_scoped3A_195, %dma_start3A_308, %dma_start3A_309] : memref<8x128x64xf32, #tpu.memory_space<vmem>> -> memref<1x128x64xf32, #tpu.memory_space<vmem>>
        %dma_start3A_311 = tpu.memref_squeeze %dma_start3A_310 : memref<1x128x64xf32, #tpu.memory_space<vmem>> -> memref<128x64xf32, #tpu.memory_space<vmem>>
        %dma_start3A_312 = arith.constant 0 : i32
        %dma_start3A_313 = tpu.memref_slice %arg4[%add3A_194, %dma_start3A_312] : memref<819200x128xf32, #tpu.memory_space<hbm>> -> memref<128x64xf32, #tpu.memory_space<hbm>>
        %dma_start3A_314 = arith.constant 0 : i32
        %dma_start3A_315 = tpu.memref_slice %arg4[%add3A_194, %dma_start3A_314] : memref<819200x128xf32, #tpu.memory_space<hbm>> -> memref<128x64xf32, #tpu.memory_space<hbm>>
        %dma_start3A_316 = arith.constant 0 : i32
        %dma_start3A_317 = arith.constant 0 : i32
        %dma_start3A_318 = tpu.memref_slice %arg6[%run_scoped3A_195, %dma_start3A_316, %dma_start3A_317] : memref<8x128x64xf32, #tpu.memory_space<vmem>> -> memref<1x128x64xf32, #tpu.memory_space<vmem>>
        %dma_start3A_319 = tpu.memref_squeeze %dma_start3A_318 : memref<1x128x64xf32, #tpu.memory_space<vmem>> -> memref<128x64xf32, #tpu.memory_space<vmem>>
        tpu.enqueue_dma source(%dma_start3A_319 : memref<128x64xf32, #tpu.memory_space<vmem>>) target(%dma_start3A_315 : memref<128x64xf32, #tpu.memory_space<hbm>>) target_semaphore(%run_scoped3A_307 : memref<!tpu.dma_semaphore, #tpu.memory_space<semaphore_mem>>)
        %dma_wait3A_320 = arith.constant 0 : i32
        %dma_wait3A_321 = arith.constant 0 : i32
        %dma_wait3A_322 = tpu.memref_slice %arg6[%run_scoped3A_195, %dma_wait3A_320, %dma_wait3A_321] : memref<8x128x64xf32, #tpu.memory_space<vmem>> -> memref<1x128x64xf32, #tpu.memory_space<vmem>>
        %dma_wait3A_323 = tpu.memref_squeeze %dma_wait3A_322 : memref<1x128x64xf32, #tpu.memory_space<vmem>> -> memref<128x64xf32, #tpu.memory_space<vmem>>
        %dma_wait3A_324 = arith.constant 0 : i32
        %dma_wait3A_325 = tpu.memref_slice %arg4[%add3A_194, %dma_wait3A_324] : memref<819200x128xf32, #tpu.memory_space<hbm>> -> memref<128x64xf32, #tpu.memory_space<hbm>>
        %dma_wait3A_326 = arith.constant 0 : i32
        %dma_wait3A_327 = tpu.memref_slice %arg4[%add3A_194, %dma_wait3A_326] : memref<819200x128xf32, #tpu.memory_space<hbm>> -> memref<128x64xf32, #tpu.memory_space<hbm>>
        %dma_wait3A_328 = arith.constant 0 : i32
        %dma_wait3A_329 = arith.constant 0 : i32
        %dma_wait3A_330 = tpu.memref_slice %arg6[%run_scoped3A_195, %dma_wait3A_328, %dma_wait3A_329] : memref<8x128x64xf32, #tpu.memory_space<vmem>> -> memref<1x128x64xf32, #tpu.memory_space<vmem>>
        %dma_wait3A_331 = tpu.memref_squeeze %dma_wait3A_330 : memref<1x128x64xf32, #tpu.memory_space<vmem>> -> memref<128x64xf32, #tpu.memory_space<vmem>>
        tpu.wait_dma2 semaphore(%run_scoped3A_307 : memref<!tpu.dma_semaphore, #tpu.memory_space<semaphore_mem>>) src(%dma_wait3A_331 : memref<128x64xf32, #tpu.memory_space<vmem>>) dst(%dma_wait3A_327 : memref<128x64xf32, #tpu.memory_space<hbm>>)
        tpu.yield
      }) : () -> ()
      %add3A_196 = arith.constant 8 : i32
      %add3A_197 = arith.addi %add3A_180, %add3A_196 : i32
      %lt3A_198 = arith.constant 200 : i32
      %lt3A_199 = arith.cmpi slt, %add3A_197, %lt3A_198 : i32
      %convert_element_type3A_200 = arith.extui %lt3A_199 : i1 to i32
      %cond3A_201 = arith.constant 0 : i32
      %cond3A_202 = arith.cmpi ne, %convert_element_type3A_200, %cond3A_201 : i32
      scf.if %cond3A_202 {
        %add3A_307 = arith.constant 8 : i32
        %add3A_308 = arith.addi %add3A_180, %add3A_307 : i32
        %dma_start3A_309 = arith.constant 3 : i32
        %dma_start3A_310 = arith.constant 0 : i32
        %dma_start3A_311 = arith.constant 0 : i32
        %dma_start3A_312 = tpu.memref_slice %arg6[%dma_start3A_309, %dma_start3A_310, %dma_start3A_311] : memref<8x128x64xf32, #tpu.memory_space<vmem>> -> memref<1x128x64xf32, #tpu.memory_space<vmem>>
        %dma_start3A_313 = tpu.memref_squeeze %dma_start3A_312 : memref<1x128x64xf32, #tpu.memory_space<vmem>> -> memref<128x64xf32, #tpu.memory_space<vmem>>
        %dma_start3A_314 = arith.constant 0 : i32
        %dma_start3A_315 = tpu.memref_slice %arg5[%add3A_308, %dma_start3A_314] : memref<200x128xi32, #tpu.memory_space<vmem>> -> memref<1x128xi32, #tpu.memory_space<vmem>>
        %dma_start3A_316 = tpu.memref_squeeze %dma_start3A_315 : memref<1x128xi32, #tpu.memory_space<vmem>> -> memref<128xi32, #tpu.memory_space<vmem>>
        %dma_start3A_317 = arith.constant 0 : i32
        %dma_start3A_318 = arith.constant 0 : i32
        %dma_start3A_319 = tpu.memref_slice %arg3[%dma_start3A_317, %dma_start3A_318] : memref<1000000x64xf32, #tpu.memory_space<hbm>> -> memref<1000000x64xf32, #tpu.memory_space<hbm>>
        tpu.enqueue_indirect_dma source(%dma_start3A_319 : memref<1000000x64xf32, #tpu.memory_space<hbm>>) target(%dma_start3A_313 : memref<128x64xf32, #tpu.memory_space<vmem>>) offsets(%dma_start3A_316 : memref<128xi32, #tpu.memory_space<vmem>>) semaphore(%arg10 : memref<!tpu.dma_semaphore, #tpu.memory_space<semaphore_mem>>)
      } else {
      }
      %mul3A_203 = arith.constant 8 : i32
      %mul3A_204 = arith.muli %scan3A_103, %mul3A_203 : i32
      %add3A_205 = arith.constant 4 : i32
      %add3A_206 = arith.addi %mul3A_204, %add3A_205 : i32
      %dma_wait3A_207 = arith.constant 4 : i32
      %dma_wait3A_208 = arith.constant 0 : i32
      %dma_wait3A_209 = arith.constant 0 : i32
      %dma_wait3A_210 = tpu.memref_slice %arg6[%dma_wait3A_207, %dma_wait3A_208, %dma_wait3A_209] : memref<8x128x64xf32, #tpu.memory_space<vmem>> -> memref<1x128x64xf32, #tpu.memory_space<vmem>>
      %dma_wait3A_211 = tpu.memref_squeeze %dma_wait3A_210 : memref<1x128x64xf32, #tpu.memory_space<vmem>> -> memref<128x64xf32, #tpu.memory_space<vmem>>
      %dma_wait3A_212 = arith.constant 0 : i32
      %dma_wait3A_213 = tpu.memref_slice %arg5[%add3A_206, %dma_wait3A_212] : memref<200x128xi32, #tpu.memory_space<vmem>> -> memref<1x128xi32, #tpu.memory_space<vmem>>
      %dma_wait3A_214 = tpu.memref_squeeze %dma_wait3A_213 : memref<1x128xi32, #tpu.memory_space<vmem>> -> memref<128xi32, #tpu.memory_space<vmem>>
      %dma_wait3A_215 = arith.constant 0 : i32
      %dma_wait3A_216 = arith.constant 0 : i32
      %dma_wait3A_217 = tpu.memref_slice %arg3[%dma_wait3A_215, %dma_wait3A_216] : memref<1000000x64xf32, #tpu.memory_space<hbm>> -> memref<1000000x64xf32, #tpu.memory_space<hbm>>
      tpu.wait_indirect_dma semaphore(%arg11 : memref<!tpu.dma_semaphore, #tpu.memory_space<semaphore_mem>>) src(%dma_wait3A_217 : memref<1000000x64xf32, #tpu.memory_space<hbm>>) dst(%dma_wait3A_211 : memref<128x64xf32, #tpu.memory_space<vmem>>)
      %mul3A_218 = arith.constant 128 : i32
      %mul3A_219 = arith.muli %add3A_206, %mul3A_218 : i32
      %add3A_220 = arith.addi %mul3A_2, %mul3A_219 : i32
      %run_scoped3A_221 = arith.constant 4 : i32
      "tpu.region"() ({
        %run_scoped3A_307 = tpu.sem_alloc : memref<!tpu.dma_semaphore, #tpu.memory_space<semaphore_mem>>
        %dma_start3A_308 = arith.constant 0 : i32
        %dma_start3A_309 = arith.constant 0 : i32
        %dma_start3A_310 = tpu.memref_slice %arg6[%run_scoped3A_221, %dma_start3A_308, %dma_start3A_309] : memref<8x128x64xf32, #tpu.memory_space<vmem>> -> memref<1x128x64xf32, #tpu.memory_space<vmem>>
        %dma_start3A_311 = tpu.memref_squeeze %dma_start3A_310 : memref<1x128x64xf32, #tpu.memory_space<vmem>> -> memref<128x64xf32, #tpu.memory_space<vmem>>
        %dma_start3A_312 = arith.constant 0 : i32
        %dma_start3A_313 = tpu.memref_slice %arg4[%add3A_220, %dma_start3A_312] : memref<819200x128xf32, #tpu.memory_space<hbm>> -> memref<128x64xf32, #tpu.memory_space<hbm>>
        %dma_start3A_314 = arith.constant 0 : i32
        %dma_start3A_315 = tpu.memref_slice %arg4[%add3A_220, %dma_start3A_314] : memref<819200x128xf32, #tpu.memory_space<hbm>> -> memref<128x64xf32, #tpu.memory_space<hbm>>
        %dma_start3A_316 = arith.constant 0 : i32
        %dma_start3A_317 = arith.constant 0 : i32
        %dma_start3A_318 = tpu.memref_slice %arg6[%run_scoped3A_221, %dma_start3A_316, %dma_start3A_317] : memref<8x128x64xf32, #tpu.memory_space<vmem>> -> memref<1x128x64xf32, #tpu.memory_space<vmem>>
        %dma_start3A_319 = tpu.memref_squeeze %dma_start3A_318 : memref<1x128x64xf32, #tpu.memory_space<vmem>> -> memref<128x64xf32, #tpu.memory_space<vmem>>
        tpu.enqueue_dma source(%dma_start3A_319 : memref<128x64xf32, #tpu.memory_space<vmem>>) target(%dma_start3A_315 : memref<128x64xf32, #tpu.memory_space<hbm>>) target_semaphore(%run_scoped3A_307 : memref<!tpu.dma_semaphore, #tpu.memory_space<semaphore_mem>>)
        %dma_wait3A_320 = arith.constant 0 : i32
        %dma_wait3A_321 = arith.constant 0 : i32
        %dma_wait3A_322 = tpu.memref_slice %arg6[%run_scoped3A_221, %dma_wait3A_320, %dma_wait3A_321] : memref<8x128x64xf32, #tpu.memory_space<vmem>> -> memref<1x128x64xf32, #tpu.memory_space<vmem>>
        %dma_wait3A_323 = tpu.memref_squeeze %dma_wait3A_322 : memref<1x128x64xf32, #tpu.memory_space<vmem>> -> memref<128x64xf32, #tpu.memory_space<vmem>>
        %dma_wait3A_324 = arith.constant 0 : i32
        %dma_wait3A_325 = tpu.memref_slice %arg4[%add3A_220, %dma_wait3A_324] : memref<819200x128xf32, #tpu.memory_space<hbm>> -> memref<128x64xf32, #tpu.memory_space<hbm>>
        %dma_wait3A_326 = arith.constant 0 : i32
        %dma_wait3A_327 = tpu.memref_slice %arg4[%add3A_220, %dma_wait3A_326] : memref<819200x128xf32, #tpu.memory_space<hbm>> -> memref<128x64xf32, #tpu.memory_space<hbm>>
        %dma_wait3A_328 = arith.constant 0 : i32
        %dma_wait3A_329 = arith.constant 0 : i32
        %dma_wait3A_330 = tpu.memref_slice %arg6[%run_scoped3A_221, %dma_wait3A_328, %dma_wait3A_329] : memref<8x128x64xf32, #tpu.memory_space<vmem>> -> memref<1x128x64xf32, #tpu.memory_space<vmem>>
        %dma_wait3A_331 = tpu.memref_squeeze %dma_wait3A_330 : memref<1x128x64xf32, #tpu.memory_space<vmem>> -> memref<128x64xf32, #tpu.memory_space<vmem>>
        tpu.wait_dma2 semaphore(%run_scoped3A_307 : memref<!tpu.dma_semaphore, #tpu.memory_space<semaphore_mem>>) src(%dma_wait3A_331 : memref<128x64xf32, #tpu.memory_space<vmem>>) dst(%dma_wait3A_327 : memref<128x64xf32, #tpu.memory_space<hbm>>)
        tpu.yield
      }) : () -> ()
      %add3A_222 = arith.constant 8 : i32
      %add3A_223 = arith.addi %add3A_206, %add3A_222 : i32
      %lt3A_224 = arith.constant 200 : i32
      %lt3A_225 = arith.cmpi slt, %add3A_223, %lt3A_224 : i32
      %convert_element_type3A_226 = arith.extui %lt3A_225 : i1 to i32
      %cond3A_227 = arith.constant 0 : i32
      %cond3A_228 = arith.cmpi ne, %convert_element_type3A_226, %cond3A_227 : i32
      scf.if %cond3A_228 {
        %add3A_307 = arith.constant 8 : i32
        %add3A_308 = arith.addi %add3A_206, %add3A_307 : i32
        %dma_start3A_309 = arith.constant 4 : i32
        %dma_start3A_310 = arith.constant 0 : i32
        %dma_start3A_311 = arith.constant 0 : i32
        %dma_start3A_312 = tpu.memref_slice %arg6[%dma_start3A_309, %dma_start3A_310, %dma_start3A_311] : memref<8x128x64xf32, #tpu.memory_space<vmem>> -> memref<1x128x64xf32, #tpu.memory_space<vmem>>
        %dma_start3A_313 = tpu.memref_squeeze %dma_start3A_312 : memref<1x128x64xf32, #tpu.memory_space<vmem>> -> memref<128x64xf32, #tpu.memory_space<vmem>>
        %dma_start3A_314 = arith.constant 0 : i32
        %dma_start3A_315 = tpu.memref_slice %arg5[%add3A_308, %dma_start3A_314] : memref<200x128xi32, #tpu.memory_space<vmem>> -> memref<1x128xi32, #tpu.memory_space<vmem>>
        %dma_start3A_316 = tpu.memref_squeeze %dma_start3A_315 : memref<1x128xi32, #tpu.memory_space<vmem>> -> memref<128xi32, #tpu.memory_space<vmem>>
        %dma_start3A_317 = arith.constant 0 : i32
        %dma_start3A_318 = arith.constant 0 : i32
        %dma_start3A_319 = tpu.memref_slice %arg3[%dma_start3A_317, %dma_start3A_318] : memref<1000000x64xf32, #tpu.memory_space<hbm>> -> memref<1000000x64xf32, #tpu.memory_space<hbm>>
        tpu.enqueue_indirect_dma source(%dma_start3A_319 : memref<1000000x64xf32, #tpu.memory_space<hbm>>) target(%dma_start3A_313 : memref<128x64xf32, #tpu.memory_space<vmem>>) offsets(%dma_start3A_316 : memref<128xi32, #tpu.memory_space<vmem>>) semaphore(%arg11 : memref<!tpu.dma_semaphore, #tpu.memory_space<semaphore_mem>>)
      } else {
      }
      %mul3A_229 = arith.constant 8 : i32
      %mul3A_230 = arith.muli %scan3A_103, %mul3A_229 : i32
      %add3A_231 = arith.constant 5 : i32
      %add3A_232 = arith.addi %mul3A_230, %add3A_231 : i32
      %dma_wait3A_233 = arith.constant 5 : i32
      %dma_wait3A_234 = arith.constant 0 : i32
      %dma_wait3A_235 = arith.constant 0 : i32
      %dma_wait3A_236 = tpu.memref_slice %arg6[%dma_wait3A_233, %dma_wait3A_234, %dma_wait3A_235] : memref<8x128x64xf32, #tpu.memory_space<vmem>> -> memref<1x128x64xf32, #tpu.memory_space<vmem>>
      %dma_wait3A_237 = tpu.memref_squeeze %dma_wait3A_236 : memref<1x128x64xf32, #tpu.memory_space<vmem>> -> memref<128x64xf32, #tpu.memory_space<vmem>>
      %dma_wait3A_238 = arith.constant 0 : i32
      %dma_wait3A_239 = tpu.memref_slice %arg5[%add3A_232, %dma_wait3A_238] : memref<200x128xi32, #tpu.memory_space<vmem>> -> memref<1x128xi32, #tpu.memory_space<vmem>>
      %dma_wait3A_240 = tpu.memref_squeeze %dma_wait3A_239 : memref<1x128xi32, #tpu.memory_space<vmem>> -> memref<128xi32, #tpu.memory_space<vmem>>
      %dma_wait3A_241 = arith.constant 0 : i32
      %dma_wait3A_242 = arith.constant 0 : i32
      %dma_wait3A_243 = tpu.memref_slice %arg3[%dma_wait3A_241, %dma_wait3A_242] : memref<1000000x64xf32, #tpu.memory_space<hbm>> -> memref<1000000x64xf32, #tpu.memory_space<hbm>>
      tpu.wait_indirect_dma semaphore(%arg12 : memref<!tpu.dma_semaphore, #tpu.memory_space<semaphore_mem>>) src(%dma_wait3A_243 : memref<1000000x64xf32, #tpu.memory_space<hbm>>) dst(%dma_wait3A_237 : memref<128x64xf32, #tpu.memory_space<vmem>>)
      %mul3A_244 = arith.constant 128 : i32
      %mul3A_245 = arith.muli %add3A_232, %mul3A_244 : i32
      %add3A_246 = arith.addi %mul3A_2, %mul3A_245 : i32
      %run_scoped3A_247 = arith.constant 5 : i32
      "tpu.region"() ({
        %run_scoped3A_307 = tpu.sem_alloc : memref<!tpu.dma_semaphore, #tpu.memory_space<semaphore_mem>>
        %dma_start3A_308 = arith.constant 0 : i32
        %dma_start3A_309 = arith.constant 0 : i32
        %dma_start3A_310 = tpu.memref_slice %arg6[%run_scoped3A_247, %dma_start3A_308, %dma_start3A_309] : memref<8x128x64xf32, #tpu.memory_space<vmem>> -> memref<1x128x64xf32, #tpu.memory_space<vmem>>
        %dma_start3A_311 = tpu.memref_squeeze %dma_start3A_310 : memref<1x128x64xf32, #tpu.memory_space<vmem>> -> memref<128x64xf32, #tpu.memory_space<vmem>>
        %dma_start3A_312 = arith.constant 0 : i32
        %dma_start3A_313 = tpu.memref_slice %arg4[%add3A_246, %dma_start3A_312] : memref<819200x128xf32, #tpu.memory_space<hbm>> -> memref<128x64xf32, #tpu.memory_space<hbm>>
        %dma_start3A_314 = arith.constant 0 : i32
        %dma_start3A_315 = tpu.memref_slice %arg4[%add3A_246, %dma_start3A_314] : memref<819200x128xf32, #tpu.memory_space<hbm>> -> memref<128x64xf32, #tpu.memory_space<hbm>>
        %dma_start3A_316 = arith.constant 0 : i32
        %dma_start3A_317 = arith.constant 0 : i32
        %dma_start3A_318 = tpu.memref_slice %arg6[%run_scoped3A_247, %dma_start3A_316, %dma_start3A_317] : memref<8x128x64xf32, #tpu.memory_space<vmem>> -> memref<1x128x64xf32, #tpu.memory_space<vmem>>
        %dma_start3A_319 = tpu.memref_squeeze %dma_start3A_318 : memref<1x128x64xf32, #tpu.memory_space<vmem>> -> memref<128x64xf32, #tpu.memory_space<vmem>>
        tpu.enqueue_dma source(%dma_start3A_319 : memref<128x64xf32, #tpu.memory_space<vmem>>) target(%dma_start3A_315 : memref<128x64xf32, #tpu.memory_space<hbm>>) target_semaphore(%run_scoped3A_307 : memref<!tpu.dma_semaphore, #tpu.memory_space<semaphore_mem>>)
        %dma_wait3A_320 = arith.constant 0 : i32
        %dma_wait3A_321 = arith.constant 0 : i32
        %dma_wait3A_322 = tpu.memref_slice %arg6[%run_scoped3A_247, %dma_wait3A_320, %dma_wait3A_321] : memref<8x128x64xf32, #tpu.memory_space<vmem>> -> memref<1x128x64xf32, #tpu.memory_space<vmem>>
        %dma_wait3A_323 = tpu.memref_squeeze %dma_wait3A_322 : memref<1x128x64xf32, #tpu.memory_space<vmem>> -> memref<128x64xf32, #tpu.memory_space<vmem>>
        %dma_wait3A_324 = arith.constant 0 : i32
        %dma_wait3A_325 = tpu.memref_slice %arg4[%add3A_246, %dma_wait3A_324] : memref<819200x128xf32, #tpu.memory_space<hbm>> -> memref<128x64xf32, #tpu.memory_space<hbm>>
        %dma_wait3A_326 = arith.constant 0 : i32
        %dma_wait3A_327 = tpu.memref_slice %arg4[%add3A_246, %dma_wait3A_326] : memref<819200x128xf32, #tpu.memory_space<hbm>> -> memref<128x64xf32, #tpu.memory_space<hbm>>
        %dma_wait3A_328 = arith.constant 0 : i32
        %dma_wait3A_329 = arith.constant 0 : i32
        %dma_wait3A_330 = tpu.memref_slice %arg6[%run_scoped3A_247, %dma_wait3A_328, %dma_wait3A_329] : memref<8x128x64xf32, #tpu.memory_space<vmem>> -> memref<1x128x64xf32, #tpu.memory_space<vmem>>
        %dma_wait3A_331 = tpu.memref_squeeze %dma_wait3A_330 : memref<1x128x64xf32, #tpu.memory_space<vmem>> -> memref<128x64xf32, #tpu.memory_space<vmem>>
        tpu.wait_dma2 semaphore(%run_scoped3A_307 : memref<!tpu.dma_semaphore, #tpu.memory_space<semaphore_mem>>) src(%dma_wait3A_331 : memref<128x64xf32, #tpu.memory_space<vmem>>) dst(%dma_wait3A_327 : memref<128x64xf32, #tpu.memory_space<hbm>>)
        tpu.yield
      }) : () -> ()
      %add3A_248 = arith.constant 8 : i32
      %add3A_249 = arith.addi %add3A_232, %add3A_248 : i32
      %lt3A_250 = arith.constant 200 : i32
      %lt3A_251 = arith.cmpi slt, %add3A_249, %lt3A_250 : i32
      %convert_element_type3A_252 = arith.extui %lt3A_251 : i1 to i32
      %cond3A_253 = arith.constant 0 : i32
      %cond3A_254 = arith.cmpi ne, %convert_element_type3A_252, %cond3A_253 : i32
      scf.if %cond3A_254 {
        %add3A_307 = arith.constant 8 : i32
        %add3A_308 = arith.addi %add3A_232, %add3A_307 : i32
        %dma_start3A_309 = arith.constant 5 : i32
        %dma_start3A_310 = arith.constant 0 : i32
        %dma_start3A_311 = arith.constant 0 : i32
        %dma_start3A_312 = tpu.memref_slice %arg6[%dma_start3A_309, %dma_start3A_310, %dma_start3A_311] : memref<8x128x64xf32, #tpu.memory_space<vmem>> -> memref<1x128x64xf32, #tpu.memory_space<vmem>>
        %dma_start3A_313 = tpu.memref_squeeze %dma_start3A_312 : memref<1x128x64xf32, #tpu.memory_space<vmem>> -> memref<128x64xf32, #tpu.memory_space<vmem>>
        %dma_start3A_314 = arith.constant 0 : i32
        %dma_start3A_315 = tpu.memref_slice %arg5[%add3A_308, %dma_start3A_314] : memref<200x128xi32, #tpu.memory_space<vmem>> -> memref<1x128xi32, #tpu.memory_space<vmem>>
        %dma_start3A_316 = tpu.memref_squeeze %dma_start3A_315 : memref<1x128xi32, #tpu.memory_space<vmem>> -> memref<128xi32, #tpu.memory_space<vmem>>
        %dma_start3A_317 = arith.constant 0 : i32
        %dma_start3A_318 = arith.constant 0 : i32
        %dma_start3A_319 = tpu.memref_slice %arg3[%dma_start3A_317, %dma_start3A_318] : memref<1000000x64xf32, #tpu.memory_space<hbm>> -> memref<1000000x64xf32, #tpu.memory_space<hbm>>
        tpu.enqueue_indirect_dma source(%dma_start3A_319 : memref<1000000x64xf32, #tpu.memory_space<hbm>>) target(%dma_start3A_313 : memref<128x64xf32, #tpu.memory_space<vmem>>) offsets(%dma_start3A_316 : memref<128xi32, #tpu.memory_space<vmem>>) semaphore(%arg12 : memref<!tpu.dma_semaphore, #tpu.memory_space<semaphore_mem>>)
      } else {
      }
      %mul3A_255 = arith.constant 8 : i32
      %mul3A_256 = arith.muli %scan3A_103, %mul3A_255 : i32
      %add3A_257 = arith.constant 6 : i32
      %add3A_258 = arith.addi %mul3A_256, %add3A_257 : i32
      %dma_wait3A_259 = arith.constant 6 : i32
      %dma_wait3A_260 = arith.constant 0 : i32
      %dma_wait3A_261 = arith.constant 0 : i32
      %dma_wait3A_262 = tpu.memref_slice %arg6[%dma_wait3A_259, %dma_wait3A_260, %dma_wait3A_261] : memref<8x128x64xf32, #tpu.memory_space<vmem>> -> memref<1x128x64xf32, #tpu.memory_space<vmem>>
      %dma_wait3A_263 = tpu.memref_squeeze %dma_wait3A_262 : memref<1x128x64xf32, #tpu.memory_space<vmem>> -> memref<128x64xf32, #tpu.memory_space<vmem>>
      %dma_wait3A_264 = arith.constant 0 : i32
      %dma_wait3A_265 = tpu.memref_slice %arg5[%add3A_258, %dma_wait3A_264] : memref<200x128xi32, #tpu.memory_space<vmem>> -> memref<1x128xi32, #tpu.memory_space<vmem>>
      %dma_wait3A_266 = tpu.memref_squeeze %dma_wait3A_265 : memref<1x128xi32, #tpu.memory_space<vmem>> -> memref<128xi32, #tpu.memory_space<vmem>>
      %dma_wait3A_267 = arith.constant 0 : i32
      %dma_wait3A_268 = arith.constant 0 : i32
      %dma_wait3A_269 = tpu.memref_slice %arg3[%dma_wait3A_267, %dma_wait3A_268] : memref<1000000x64xf32, #tpu.memory_space<hbm>> -> memref<1000000x64xf32, #tpu.memory_space<hbm>>
      tpu.wait_indirect_dma semaphore(%arg13 : memref<!tpu.dma_semaphore, #tpu.memory_space<semaphore_mem>>) src(%dma_wait3A_269 : memref<1000000x64xf32, #tpu.memory_space<hbm>>) dst(%dma_wait3A_263 : memref<128x64xf32, #tpu.memory_space<vmem>>)
      %mul3A_270 = arith.constant 128 : i32
      %mul3A_271 = arith.muli %add3A_258, %mul3A_270 : i32
      %add3A_272 = arith.addi %mul3A_2, %mul3A_271 : i32
      %run_scoped3A_273 = arith.constant 6 : i32
      "tpu.region"() ({
        %run_scoped3A_307 = tpu.sem_alloc : memref<!tpu.dma_semaphore, #tpu.memory_space<semaphore_mem>>
        %dma_start3A_308 = arith.constant 0 : i32
        %dma_start3A_309 = arith.constant 0 : i32
        %dma_start3A_310 = tpu.memref_slice %arg6[%run_scoped3A_273, %dma_start3A_308, %dma_start3A_309] : memref<8x128x64xf32, #tpu.memory_space<vmem>> -> memref<1x128x64xf32, #tpu.memory_space<vmem>>
        %dma_start3A_311 = tpu.memref_squeeze %dma_start3A_310 : memref<1x128x64xf32, #tpu.memory_space<vmem>> -> memref<128x64xf32, #tpu.memory_space<vmem>>
        %dma_start3A_312 = arith.constant 0 : i32
        %dma_start3A_313 = tpu.memref_slice %arg4[%add3A_272, %dma_start3A_312] : memref<819200x128xf32, #tpu.memory_space<hbm>> -> memref<128x64xf32, #tpu.memory_space<hbm>>
        %dma_start3A_314 = arith.constant 0 : i32
        %dma_start3A_315 = tpu.memref_slice %arg4[%add3A_272, %dma_start3A_314] : memref<819200x128xf32, #tpu.memory_space<hbm>> -> memref<128x64xf32, #tpu.memory_space<hbm>>
        %dma_start3A_316 = arith.constant 0 : i32
        %dma_start3A_317 = arith.constant 0 : i32
        %dma_start3A_318 = tpu.memref_slice %arg6[%run_scoped3A_273, %dma_start3A_316, %dma_start3A_317] : memref<8x128x64xf32, #tpu.memory_space<vmem>> -> memref<1x128x64xf32, #tpu.memory_space<vmem>>
        %dma_start3A_319 = tpu.memref_squeeze %dma_start3A_318 : memref<1x128x64xf32, #tpu.memory_space<vmem>> -> memref<128x64xf32, #tpu.memory_space<vmem>>
        tpu.enqueue_dma source(%dma_start3A_319 : memref<128x64xf32, #tpu.memory_space<vmem>>) target(%dma_start3A_315 : memref<128x64xf32, #tpu.memory_space<hbm>>) target_semaphore(%run_scoped3A_307 : memref<!tpu.dma_semaphore, #tpu.memory_space<semaphore_mem>>)
        %dma_wait3A_320 = arith.constant 0 : i32
        %dma_wait3A_321 = arith.constant 0 : i32
        %dma_wait3A_322 = tpu.memref_slice %arg6[%run_scoped3A_273, %dma_wait3A_320, %dma_wait3A_321] : memref<8x128x64xf32, #tpu.memory_space<vmem>> -> memref<1x128x64xf32, #tpu.memory_space<vmem>>
        %dma_wait3A_323 = tpu.memref_squeeze %dma_wait3A_322 : memref<1x128x64xf32, #tpu.memory_space<vmem>> -> memref<128x64xf32, #tpu.memory_space<vmem>>
        %dma_wait3A_324 = arith.constant 0 : i32
        %dma_wait3A_325 = tpu.memref_slice %arg4[%add3A_272, %dma_wait3A_324] : memref<819200x128xf32, #tpu.memory_space<hbm>> -> memref<128x64xf32, #tpu.memory_space<hbm>>
        %dma_wait3A_326 = arith.constant 0 : i32
        %dma_wait3A_327 = tpu.memref_slice %arg4[%add3A_272, %dma_wait3A_326] : memref<819200x128xf32, #tpu.memory_space<hbm>> -> memref<128x64xf32, #tpu.memory_space<hbm>>
        %dma_wait3A_328 = arith.constant 0 : i32
        %dma_wait3A_329 = arith.constant 0 : i32
        %dma_wait3A_330 = tpu.memref_slice %arg6[%run_scoped3A_273, %dma_wait3A_328, %dma_wait3A_329] : memref<8x128x64xf32, #tpu.memory_space<vmem>> -> memref<1x128x64xf32, #tpu.memory_space<vmem>>
        %dma_wait3A_331 = tpu.memref_squeeze %dma_wait3A_330 : memref<1x128x64xf32, #tpu.memory_space<vmem>> -> memref<128x64xf32, #tpu.memory_space<vmem>>
        tpu.wait_dma2 semaphore(%run_scoped3A_307 : memref<!tpu.dma_semaphore, #tpu.memory_space<semaphore_mem>>) src(%dma_wait3A_331 : memref<128x64xf32, #tpu.memory_space<vmem>>) dst(%dma_wait3A_327 : memref<128x64xf32, #tpu.memory_space<hbm>>)
        tpu.yield
      }) : () -> ()
      %add3A_274 = arith.constant 8 : i32
      %add3A_275 = arith.addi %add3A_258, %add3A_274 : i32
      %lt3A_276 = arith.constant 200 : i32
      %lt3A_277 = arith.cmpi slt, %add3A_275, %lt3A_276 : i32
      %convert_element_type3A_278 = arith.extui %lt3A_277 : i1 to i32
      %cond3A_279 = arith.constant 0 : i32
      %cond3A_280 = arith.cmpi ne, %convert_element_type3A_278, %cond3A_279 : i32
      scf.if %cond3A_280 {
        %add3A_307 = arith.constant 8 : i32
        %add3A_308 = arith.addi %add3A_258, %add3A_307 : i32
        %dma_start3A_309 = arith.constant 6 : i32
        %dma_start3A_310 = arith.constant 0 : i32
        %dma_start3A_311 = arith.constant 0 : i32
        %dma_start3A_312 = tpu.memref_slice %arg6[%dma_start3A_309, %dma_start3A_310, %dma_start3A_311] : memref<8x128x64xf32, #tpu.memory_space<vmem>> -> memref<1x128x64xf32, #tpu.memory_space<vmem>>
        %dma_start3A_313 = tpu.memref_squeeze %dma_start3A_312 : memref<1x128x64xf32, #tpu.memory_space<vmem>> -> memref<128x64xf32, #tpu.memory_space<vmem>>
        %dma_start3A_314 = arith.constant 0 : i32
        %dma_start3A_315 = tpu.memref_slice %arg5[%add3A_308, %dma_start3A_314] : memref<200x128xi32, #tpu.memory_space<vmem>> -> memref<1x128xi32, #tpu.memory_space<vmem>>
        %dma_start3A_316 = tpu.memref_squeeze %dma_start3A_315 : memref<1x128xi32, #tpu.memory_space<vmem>> -> memref<128xi32, #tpu.memory_space<vmem>>
        %dma_start3A_317 = arith.constant 0 : i32
        %dma_start3A_318 = arith.constant 0 : i32
        %dma_start3A_319 = tpu.memref_slice %arg3[%dma_start3A_317, %dma_start3A_318] : memref<1000000x64xf32, #tpu.memory_space<hbm>> -> memref<1000000x64xf32, #tpu.memory_space<hbm>>
        tpu.enqueue_indirect_dma source(%dma_start3A_319 : memref<1000000x64xf32, #tpu.memory_space<hbm>>) target(%dma_start3A_313 : memref<128x64xf32, #tpu.memory_space<vmem>>) offsets(%dma_start3A_316 : memref<128xi32, #tpu.memory_space<vmem>>) semaphore(%arg13 : memref<!tpu.dma_semaphore, #tpu.memory_space<semaphore_mem>>)
      } else {
      }
      %mul3A_281 = arith.constant 8 : i32
      %mul3A_282 = arith.muli %scan3A_103, %mul3A_281 : i32
      %add3A_283 = arith.constant 7 : i32
      %add3A_284 = arith.addi %mul3A_282, %add3A_283 : i32
      %dma_wait3A_285 = arith.constant 7 : i32
      %dma_wait3A_286 = arith.constant 0 : i32
      %dma_wait3A_287 = arith.constant 0 : i32
      %dma_wait3A_288 = tpu.memref_slice %arg6[%dma_wait3A_285, %dma_wait3A_286, %dma_wait3A_287] : memref<8x128x64xf32, #tpu.memory_space<vmem>> -> memref<1x128x64xf32, #tpu.memory_space<vmem>>
      %dma_wait3A_289 = tpu.memref_squeeze %dma_wait3A_288 : memref<1x128x64xf32, #tpu.memory_space<vmem>> -> memref<128x64xf32, #tpu.memory_space<vmem>>
      %dma_wait3A_290 = arith.constant 0 : i32
      %dma_wait3A_291 = tpu.memref_slice %arg5[%add3A_284, %dma_wait3A_290] : memref<200x128xi32, #tpu.memory_space<vmem>> -> memref<1x128xi32, #tpu.memory_space<vmem>>
      %dma_wait3A_292 = tpu.memref_squeeze %dma_wait3A_291 : memref<1x128xi32, #tpu.memory_space<vmem>> -> memref<128xi32, #tpu.memory_space<vmem>>
      %dma_wait3A_293 = arith.constant 0 : i32
      %dma_wait3A_294 = arith.constant 0 : i32
      %dma_wait3A_295 = tpu.memref_slice %arg3[%dma_wait3A_293, %dma_wait3A_294] : memref<1000000x64xf32, #tpu.memory_space<hbm>> -> memref<1000000x64xf32, #tpu.memory_space<hbm>>
      tpu.wait_indirect_dma semaphore(%arg14 : memref<!tpu.dma_semaphore, #tpu.memory_space<semaphore_mem>>) src(%dma_wait3A_295 : memref<1000000x64xf32, #tpu.memory_space<hbm>>) dst(%dma_wait3A_289 : memref<128x64xf32, #tpu.memory_space<vmem>>)
      %mul3A_296 = arith.constant 128 : i32
      %mul3A_297 = arith.muli %add3A_284, %mul3A_296 : i32
      %add3A_298 = arith.addi %mul3A_2, %mul3A_297 : i32
      %run_scoped3A_299 = arith.constant 7 : i32
      "tpu.region"() ({
        %run_scoped3A_307 = tpu.sem_alloc : memref<!tpu.dma_semaphore, #tpu.memory_space<semaphore_mem>>
        %dma_start3A_308 = arith.constant 0 : i32
        %dma_start3A_309 = arith.constant 0 : i32
        %dma_start3A_310 = tpu.memref_slice %arg6[%run_scoped3A_299, %dma_start3A_308, %dma_start3A_309] : memref<8x128x64xf32, #tpu.memory_space<vmem>> -> memref<1x128x64xf32, #tpu.memory_space<vmem>>
        %dma_start3A_311 = tpu.memref_squeeze %dma_start3A_310 : memref<1x128x64xf32, #tpu.memory_space<vmem>> -> memref<128x64xf32, #tpu.memory_space<vmem>>
        %dma_start3A_312 = arith.constant 0 : i32
        %dma_start3A_313 = tpu.memref_slice %arg4[%add3A_298, %dma_start3A_312] : memref<819200x128xf32, #tpu.memory_space<hbm>> -> memref<128x64xf32, #tpu.memory_space<hbm>>
        %dma_start3A_314 = arith.constant 0 : i32
        %dma_start3A_315 = tpu.memref_slice %arg4[%add3A_298, %dma_start3A_314] : memref<819200x128xf32, #tpu.memory_space<hbm>> -> memref<128x64xf32, #tpu.memory_space<hbm>>
        %dma_start3A_316 = arith.constant 0 : i32
        %dma_start3A_317 = arith.constant 0 : i32
        %dma_start3A_318 = tpu.memref_slice %arg6[%run_scoped3A_299, %dma_start3A_316, %dma_start3A_317] : memref<8x128x64xf32, #tpu.memory_space<vmem>> -> memref<1x128x64xf32, #tpu.memory_space<vmem>>
        %dma_start3A_319 = tpu.memref_squeeze %dma_start3A_318 : memref<1x128x64xf32, #tpu.memory_space<vmem>> -> memref<128x64xf32, #tpu.memory_space<vmem>>
        tpu.enqueue_dma source(%dma_start3A_319 : memref<128x64xf32, #tpu.memory_space<vmem>>) target(%dma_start3A_315 : memref<128x64xf32, #tpu.memory_space<hbm>>) target_semaphore(%run_scoped3A_307 : memref<!tpu.dma_semaphore, #tpu.memory_space<semaphore_mem>>)
        %dma_wait3A_320 = arith.constant 0 : i32
        %dma_wait3A_321 = arith.constant 0 : i32
        %dma_wait3A_322 = tpu.memref_slice %arg6[%run_scoped3A_299, %dma_wait3A_320, %dma_wait3A_321] : memref<8x128x64xf32, #tpu.memory_space<vmem>> -> memref<1x128x64xf32, #tpu.memory_space<vmem>>
        %dma_wait3A_323 = tpu.memref_squeeze %dma_wait3A_322 : memref<1x128x64xf32, #tpu.memory_space<vmem>> -> memref<128x64xf32, #tpu.memory_space<vmem>>
        %dma_wait3A_324 = arith.constant 0 : i32
        %dma_wait3A_325 = tpu.memref_slice %arg4[%add3A_298, %dma_wait3A_324] : memref<819200x128xf32, #tpu.memory_space<hbm>> -> memref<128x64xf32, #tpu.memory_space<hbm>>
        %dma_wait3A_326 = arith.constant 0 : i32
        %dma_wait3A_327 = tpu.memref_slice %arg4[%add3A_298, %dma_wait3A_326] : memref<819200x128xf32, #tpu.memory_space<hbm>> -> memref<128x64xf32, #tpu.memory_space<hbm>>
        %dma_wait3A_328 = arith.constant 0 : i32
        %dma_wait3A_329 = arith.constant 0 : i32
        %dma_wait3A_330 = tpu.memref_slice %arg6[%run_scoped3A_299, %dma_wait3A_328, %dma_wait3A_329] : memref<8x128x64xf32, #tpu.memory_space<vmem>> -> memref<1x128x64xf32, #tpu.memory_space<vmem>>
        %dma_wait3A_331 = tpu.memref_squeeze %dma_wait3A_330 : memref<1x128x64xf32, #tpu.memory_space<vmem>> -> memref<128x64xf32, #tpu.memory_space<vmem>>
        tpu.wait_dma2 semaphore(%run_scoped3A_307 : memref<!tpu.dma_semaphore, #tpu.memory_space<semaphore_mem>>) src(%dma_wait3A_331 : memref<128x64xf32, #tpu.memory_space<vmem>>) dst(%dma_wait3A_327 : memref<128x64xf32, #tpu.memory_space<hbm>>)
        tpu.yield
      }) : () -> ()
      %add3A_300 = arith.constant 8 : i32
      %add3A_301 = arith.addi %add3A_284, %add3A_300 : i32
      %lt3A_302 = arith.constant 200 : i32
      %lt3A_303 = arith.cmpi slt, %add3A_301, %lt3A_302 : i32
      %convert_element_type3A_304 = arith.extui %lt3A_303 : i1 to i32
      %cond3A_305 = arith.constant 0 : i32
      %cond3A_306 = arith.cmpi ne, %convert_element_type3A_304, %cond3A_305 : i32
      scf.if %cond3A_306 {
        %add3A_307 = arith.constant 8 : i32
        %add3A_308 = arith.addi %add3A_284, %add3A_307 : i32
        %dma_start3A_309 = arith.constant 7 : i32
        %dma_start3A_310 = arith.constant 0 : i32
        %dma_start3A_311 = arith.constant 0 : i32
        %dma_start3A_312 = tpu.memref_slice %arg6[%dma_start3A_309, %dma_start3A_310, %dma_start3A_311] : memref<8x128x64xf32, #tpu.memory_space<vmem>> -> memref<1x128x64xf32, #tpu.memory_space<vmem>>
        %dma_start3A_313 = tpu.memref_squeeze %dma_start3A_312 : memref<1x128x64xf32, #tpu.memory_space<vmem>> -> memref<128x64xf32, #tpu.memory_space<vmem>>
        %dma_start3A_314 = arith.constant 0 : i32
        %dma_start3A_315 = tpu.memref_slice %arg5[%add3A_308, %dma_start3A_314] : memref<200x128xi32, #tpu.memory_space<vmem>> -> memref<1x128xi32, #tpu.memory_space<vmem>>
        %dma_start3A_316 = tpu.memref_squeeze %dma_start3A_315 : memref<1x128xi32, #tpu.memory_space<vmem>> -> memref<128xi32, #tpu.memory_space<vmem>>
        %dma_start3A_317 = arith.constant 0 : i32
        %dma_start3A_318 = arith.constant 0 : i32
        %dma_start3A_319 = tpu.memref_slice %arg3[%dma_start3A_317, %dma_start3A_318] : memref<1000000x64xf32, #tpu.memory_space<hbm>> -> memref<1000000x64xf32, #tpu.memory_space<hbm>>
        tpu.enqueue_indirect_dma source(%dma_start3A_319 : memref<1000000x64xf32, #tpu.memory_space<hbm>>) target(%dma_start3A_313 : memref<128x64xf32, #tpu.memory_space<vmem>>) offsets(%dma_start3A_316 : memref<128xi32, #tpu.memory_space<vmem>>) semaphore(%arg14 : memref<!tpu.dma_semaphore, #tpu.memory_space<semaphore_mem>>)
      } else {
      }
    }
    %scan3A_102 = arith.constant 25 : i32
    return
  }
}

</mosaic_0001>

<sc_bundles>
// kernel: _embed_gather.3.cloned.1.call-start
scs
__scs_entry_jumppad:
0x0: {  	(pc) =	sbr.rel $0x88, $3  }
0x1: {  	(tag) =	ssettag $0x0;
	lr =	simm.s32 $0x1  }
0x2: {  	[smem:$0x3F9F] =	sst lr;
	_ =	strace $0xD0000000  }
0x3: {  	_ = 	snop  }
0x4: {  	_ = 	snop  }
0x5: {  	_ = 	snop  }
0x6: {  	_ = 	snop  }
0x7: {  	_ = 	snop  }
__scs_overlays_trampoline_lowered:
0x8: {  	[smem:$0x3FAE] =	sst s0  }
0x9: {  	[smem:$0x3FAF] =	sst s1  }
0xa: {  	[smem:$0x3FB0] =	sst s2  }
0xb: {  	[smem:$0x3FB1] =	sst s3  }
0xc: {  	[smem:$0x3FB2] =	sst s4  }
0xd: {  	[smem:$0x3FB3] =	sst s5  }
0xe: {  	[smem:$0x3FB4] =	sst s6  }
0xf: {  	[smem:$0x3FB5] =	sst s7  }
0x10: {  	[smem:$0x3FB6] =	sst s8  }
0x11: {  	[smem:$0x3FB7] =	sst s9;
	s0 =	simm.s32 @!p0 $0x0  }
0x12: {  	s1 =	sld [smem:$0x3F9D];
	s0 =	simm.s32 @p0 $0x1  }
0x13: {  	[smem:$0x3FB8] =	sst s0;
	s0 =	simm.s32 @!p1 $0x0  }
0x14: {  	s2 =	sld [smem:$0x3F9C];
	s0 =	simm.s32 @p1 $0x1  }
0x15: {  	[smem:$0x3FB9] =	sst s0;
	s0 =	simm.s32 @!p2 $0x0  }
0x16: {  	s3 =	sld [smem:$0x3FDB];
	s0 =	simm.s32 @p2 $0x1  }
0x17: {  	s4 =	simm.s32 $0x1BF5;
	[smem:$0x3FBB] =	sst s0  }
0x18: {  	s0 =	sld [smem:$0x3F9E];
	_ =	swait.ge [sflag:s4], $0x0  }
0x19: {  	s7 =	sld [smem:$0x3F9F]  }
0x1a: {  	s8 =	sadd.s32 $0xFFFFE003, lr  }
0x1b: {  	s9 =	sadd.s32 $0xFFFFFEF7, lr;
	s5 =	simm.s32 $0xFFFFFFFF;
	p2 =	slt.u32 s8, $0xFFFFF086  }
0x1c: {  	p1 =	slt.u32 s9, $0xF7A;
	s5 =	simm.s32 @!p2 $0x0  }
0x1d: {  	s5 =	simm.s32 @p1 $0x1;
	p0 =	seq.s32 s7, s2  }
0x1e: {  	s7 =	smul.u32 @!p0 $0xF7A, s2;
	p2 =	seq.s32 @!p0 s5, $0x0  }
0x1f: {  	s9 =	smul.u32 $0xF7A, s1;
	s8 =	simm.s32 @!p0 $0x1BF5;
	p2 =	por !p2, p0  }
0x20: {  	[sflag:s8] =	ssyncset.s32 @!p0 $0xFFFFF086;
	s6 =	sadd.s32 @!p0 s3, s7;
	s7 =	simm.s32 @!p0 $0x108  }
0x21: {  	s3 =	sadd.s32 s3, s9;
	s6 =	sadd.s32 @!p0 $0x88, s6;
	s7 =	simm.s32 @p2 $0x1082  }
0x22: {  	[simem:s7], [sflag:s8] =	dma.local @!p0 [hbm:s6], $0xF7A  }
0x23: {  	s9 =	sor.u32 $0xD0000000, s2;
	s6 =	simm.s32 $0x108;
	_ =	swait.ge @!p0 [sflag:s8], $0x0  }
0x24: {  	s3 =	sadd.s32 $0x88, s3;
	s6 =	simm.s32 @!p1 $0x1082;
	[sflag:s4] =	ssyncset.s32 $0xFFFFF086  }
0x25: {  	[simem:s6], [sflag:s4] =	dma.local [hbm:s3], $0xF7A  }
0x26: {  	[smem:$0x3F9F] =	sst s1;
	(tag) =	ssettag s2;
	_ =	strace s9  }
0x27: {  	s1 =	sld [smem:$0x3FAF]  }
0x28: {  	s2 =	sld [smem:$0x3FB0]  }
0x29: {  	s4 =	sld [smem:$0x3FB2]  }
0x2a: {  	p0 =	seq.s32 s5, $0x0;
	s5 =	sld [smem:$0x3FB3]  }
0x2b: {  	s6 =	sld [smem:$0x3FB4]  }
0x2c: {  	s7 =	sld [smem:$0x3FB5]  }
0x2d: {  	s3 =	simm.s32 $0x108;
	s8 =	sld [smem:$0x3FB6]  }
0x2e: {  	s3 =	simm.s32 @!p0 $0x1082;
	s9 =	sld [smem:$0x3FB7]  }
0x2f: {  	lr =	sadd.s32 s0, s3;
	s0 =	sld [smem:$0x3FAE]  }
0x30: {  	s3 =	sld [smem:$0x3FB1]  }
0x31: {  	[smem:$0x3FBA] =	sst s10  }
0x32: {  	s10 =	sld [smem:$0x3FB8];
	_ =	sdelay $0x3  }
0x33: {  	p0 =	seq.s32 s10, $0x1;
	s10 =	sld [smem:$0x3FBA];
	_ =	sdelay $0x3  }
0x34: {  	[smem:$0x3FBA] =	sst s10  }
0x35: {  	s10 =	sld [smem:$0x3FB9];
	_ =	sdelay $0x3  }
0x36: {  	p1 =	seq.s32 s10, $0x1;
	s10 =	sld [smem:$0x3FBA];
	_ =	sdelay $0x3  }
0x37: {  	[smem:$0x3FBA] =	sst s10  }
0x38: {  	s10 =	sld [smem:$0x3FBB]  }
0x39: {  	_ = 	snop;
	(pc) =	sbr.ind lr, $3  }
0x3a: {  	_ = 	snop  }
0x3b: {  	_ = 	snop  }
0x3c: {  	p2 =	seq.s32 s10, $0x1;
	s10 =	sld [smem:$0x3FBA]  }
0x3d: {  	_ =	shalt  }
0x3e: {  	_ =	shalt  }
0x3f: {  	_ =	shalt  }
0x40: {  	_ =	shalt  }
0x41: {  	_ =	shalt  }
0x42: {  	_ =	shalt  }
0x43: {  	_ =	shalt  }
0x44: {  	_ =	shalt  }
0x45: {  	_ =	shalt  }
0x46: {  	_ =	shalt  }
0x47: {  	_ =	shalt  }
0x48: {  	_ =	shalt  }
0x49: {  	_ =	shalt  }
0x4a: {  	_ =	shalt  }
0x4b: {  	_ =	shalt  }
0x4c: {  	_ =	shalt  }
0x4d: {  	_ =	shalt  }
0x4e: {  	_ =	shalt  }
0x4f: {  	_ =	shalt  }
0x50: {  	_ =	shalt  }
0x51: {  	_ =	shalt  }
0x52: {  	_ =	shalt  }
0x53: {  	_ =	shalt  }
0x54: {  	_ =	shalt  }
0x55: {  	_ =	shalt  }
0x56: {  	_ =	shalt  }
0x57: {  	_ =	shalt  }
0x58: {  	_ =	shalt  }
0x59: {  	_ =	shalt  }
0x5a: {  	_ =	shalt  }
0x5b: {  	_ =	shalt  }
0x5c: {  	_ =	shalt  }
0x5d: {  	_ =	shalt  }
0x5e: {  	_ =	shalt  }
0x5f: {  	_ =	shalt  }
0x60: {  	_ =	shalt  }
0x61: {  	_ =	shalt  }
0x62: {  	_ =	shalt  }
0x63: {  	_ =	shalt  }
0x64: {  	_ =	shalt  }
0x65: {  	_ =	shalt  }
0x66: {  	_ =	shalt  }
0x67: {  	_ =	shalt  }
0x68: {  	_ =	shalt  }
0x69: {  	_ =	shalt  }
0x6a: {  	_ =	shalt  }
0x6b: {  	_ =	shalt  }
0x6c: {  	_ =	shalt  }
0x6d: {  	_ =	shalt  }
0x6e: {  	_ =	shalt  }
0x6f: {  	_ =	shalt  }
0x70: {  	_ =	shalt  }
0x71: {  	_ =	shalt  }
0x72: {  	_ =	shalt  }
0x73: {  	_ =	shalt  }
0x74: {  	_ =	shalt  }
0x75: {  	_ =	shalt  }
0x76: {  	_ =	shalt  }
0x77: {  	_ =	shalt  }
0x78: {  	_ =	shalt  }
0x79: {  	_ =	shalt  }
0x7a: {  	_ =	shalt  }
0x7b: {  	_ =	shalt  }
0x7c: {  	_ =	shalt  }
0x7d: {  	_ =	shalt  }
0x7e: {  	_ =	shalt  }
0x7f: {  	_ =	shalt  }
0x80: {  	_ =	shalt  }
0x81: {  	_ =	shalt  }
0x82: {  	_ =	shalt  }
0x83: {  	_ =	shalt  }
0x84: {  	_ =	shalt  }
0x85: {  	_ =	shalt  }
0x86: {  	_ =	shalt  }
0x87: {  	_ =	shalt  }
.Lfunc_end0:
.L_simem_size_0:
called_computation_lowered:
.L_overlay_start_0:
0x88: {  	s2 =	sld [smem:$0x3FD9]  }
0x89: {  	s3 =	sld [smem:$0x3FFE];
	_ =	sdelay $0x1  }
0x8a: {  	s1 =	srdreg.scid  }
0x8b: {  	s0 =	sand.u32 $0x1, s1  }
0x8c: {  	s17 =	sshll.u32 s0, $0xA;
	s2 =	sadd.s32 s3, s2  }
0x8d: {  	s2 =	sadd.s32 s2, s17  }
0x8e: {  	[smem:$0x3FC6] =	sst s2  }
0x8f: {  	_ = 	snop  }
0x90: {  	s2 =	sld [smem:$0x3FC9]  }
0x91: {  	s18 =	sld [smem:$0x3FD0];
	(tm) =	ssettm $0x1  }
0x92: {  	s4 =	sld [smem:$0x3FFB];
	_ =	sdelay $0x3  }
0x93: {  	_ =	strace s4  }
0x94: {  	s4 =	sld [smem:$0x3FFC];
	_ =	sdelay $0x3  }
0x95: {  	_ =	strace s4  }
0x96: {  	s4 =	sld [smem:$0x3FFD];
	_ =	sdelay $0x3  }
0x97: {  	_ =	strace s4  }
0x98: {  	_ =	strace $0x8FFFFFFF  }
0x99: {  	s19 =	sld [smem:$0x3FDB];
	_ =	sdelay $0x1  }
0x9a: {  	s5 =	simm.s32 $_scs_section_size  }
0x9b: {  	s6 =	simm.s32 $_size__tile_overlayer_lowered;
	s7 =	simm.s32 $_tile_overlayer_lowered  }
0x9c: {  	s22 =	simm.s32 $0x1BFF;
	s21 =	sshll.u32 s7, $0x1;
	s4 =	sadd.s32 s5, s19  }
0x9d: {  	s8 =	simm.s32 $0x0;
	s20 =	sshll.u32 s6, $0x1;
	s6 =	sadd.s32 s21, s4  }
0x9e: {  	[timem:s8], [sflag:s22] =	dma.local [hbm:s6], s20  }
0x9f: {  	_ =	swait.ge [sflag:s22], s20  }
0xa0: {  	s5 =	ssub.s32 $0x0, s20;
	[sflag:s22] =	ssyncset.done $0x0  }
0xa1: {  	[sflag:s22] =	ssyncadd.s32 s5;
	_ =	sdelay $0x1  }
0xa2: {  	s23 =	simm.s32 $0x1B8B  }
0xa3: {  	_ =	swait.ge [sflag:s23], $0x1  }
0xa4: {  	[sflag:s23] =	ssyncset.done $0x0  }
0xa5: {  	s25 =	simm.s32 $0x1B8E;
	s24 =	sld [smem:$0x3FFE];
	[sflag:s23] =	ssyncadd.s32 $0xFFFFFFFF  }
0xa6: {  	s26 =	simm.s32 $execute0_lowered;
	[smem:$0x3FD2] =	sst s25  }
0xa7: {  	s6 =	sshll.u32 s26, $0x1;
	_ =	strace $0x80000046;
	[dreg:$0x1] =	wrdreg $0xFFFFFFFF  }
0xa8: {  	s28 =	simm.s32 $_size_execute0_lowered;
	s4 =	sadd.s32 s4, s6;
	[dreg:$0x0] =	wrdreg $0x0  }
0xa9: {  	s6 =	sshll.u32 s28, $0x1;
	[dreg:$0x2] =	wrdreg s4  }
0xaa: {  	[dreg:$0x3] =	wrdreg s6  }
0xab: {  	[dreg:$0x4] =	wrdreg $0xC0  }
0xac: {  	_ =	task [dreg:s8], $0x5FFFF  }
0xad: {  	[dreg:$0x1] =	wrdreg $0xFFFFFFFF  }
0xae: {  	[dreg:$0x0] =	wrdreg $0x60  }
0xaf: {  	[dreg:$0x2] =	wrdreg s2  }
0xb0: {  	[dreg:$0x3] =	wrdreg s24  }
0xb1: {  	[dreg:$0x4] =	wrdreg s18  }
0xb2: {  	[dreg:$0x5] =	wrdreg $0x9  }
0xb3: {  	_ =	task.clear_ibuf [dreg:s8], $0x6FFFF;
	_ =	strace $0x90000046  }
0xb4: {  	s29 =	simm.s32 $0x9;
	_ =	strace $0x80000048  }
0xb5: {  	_ =	swait.ge [sflag:s29], $0x1  }
0xb6: {  	[sflag:s29] =	ssyncadd.s32 $0xFFFFFFFF  }
0xb7: {  	_ =	strace $0x90000048  }
0xb8: {  	_ =	sfence  }
0xb9: {  	s30 =	sld [smem:$0x0];
	_ =	sdelay $0x2  }
0xba: {  	s31 =	sshll.u32 s1, $0xD;
	s1 =	sshrl.u32 s1, $0x2  }
0xbb: {  	s3 =	sand.u32 $0x4000, s31;
	s1 =	sadd.s32 s1, s30  }
0xbc: {  	s0 =	sor.u32 s3, s0;
	s1 =	sshll.u32 s1, $0x11  }
0xbd: {  	s0 =	sor.u32 s1, s0  }
0xbe: {  	s0 =	sadd.s32 $0x8F2B, s0  }
0xbf: {  	[sflag:s0] =	ssyncadd.remote.s32 $0x1  }
0xc0: {  	_ =	sfence.sel $0xFFFF  }
0xc1: {  	[dreg:$0x0] =	wrdreg $0xFFFFFFFF;
	(pc) =	sbr.abs _section_cstart, $3  }
0xc2: {  	[dreg:$0x1] =	wrdreg $0xFFFFFFFF  }
0xc3: {  	_ =	task.clear_ibuf [dreg:s8], $0x2FFFF;
	_ =	strace $0x9FFFFFFF  }
0xc4: {  	(tm) =	ssettm $0x7FFFFFFF  }
0xc5: {  	_ =	shalt  }
tec
execute0_lowered:
.L_overlay_start_1:
0x0: {  	(tag) =	ssettag $0x1  }
0x1: {  	s2 =	rddreg [dreg:$0x0]  }
0x2: {  	s0 =	srdreg.scid;
	s3 =	rddreg [dreg:$0x1]  }
0x3: {  	s8 =	stileid.u32;
	s4 =	rddreg [dreg:$0x2];
	s9 =	simm.s32 $0x0  }
0x4: {  	s14 =	simm.s32 $0x9;
	s15 =	simm.s32 $0x80;
	s19 =	simm.s32 $0xA400  }
0x5: {  	s21 =	simm.s32 $0xC400;
	s23 =	simm.s32 $0xE400;
	s28 =	simm.s32 $0x12400  }
0x6: {  	s30 =	simm.s32 $0x14400;
	s31 =	simm.s32 $0x1;
	s18 =	simm.s32 $0x3  }
0x7: {  	s20 =	simm.s32 $0x4;
	s22 =	simm.s32 $0x5;
	s5 =	smul.u32 $0x640000, s8  }
0x8: {  	s0 =	sand.u32 $0x1, s0;
	s1 =	sshll.u32 s8, $0x1;
	s8 =	smul.u32 $0xC800, s8  }
0x9: {  	s29 =	simm.s32 $0x8;
	[smem:$0x7FF] =	sst s9;
	s6 =	smul.u32 $0x320000, s0  }
0xa: {  	s1 =	sor.u32 s0, s1;
	s7 =	ssub.s32 $0x2, s0;
	s0 =	smul.u32 $0x6400, s0  }
0xb: {  	s3 =	sadd.s32 $0xF42800, s3;
	s1 =	smul.u32 $0x6400, s1;
	s24 =	sshrl.u32 s7, $0x1  }
0xc: {  	_ =	strace $0x80000047;
	s7 =	ssub.s32 s7, s24;
	s5 =	sadd.s32 s6, s5  }
0xd: {  	s0 =	sadd.s32 s0, s8;
	s24 =	simm.s32 $0x6;
	s1 =	sshrl.u32 s1, $0x3  }
0xe: {  	s25 =	sshrl.u32 s5, $0x3;
	s0 =	sshll.u32 s0, $0x4;
	s26 =	smax.u32 s7, $0x1  }
0xf: {  	s1 =	sadd.s32 s2, s1;
	[dreg:$0x5] =	wrdreg s26;
	s6 =	sadd.s32 s25, s4  }
.Ltmp0:
0x10: {  	s0 =	sadd.s32 s0, s4;
	s25 =	simm.s32 $0x10400;
	(pc) =	sbr.rel .LBB2_1-.Ltmp0, $4  }
0x11: {  	s26 =	simm.s32 $0x7;
	s4 =	simm.s32 $0x0;
	[dreg:$0x4] =	wrdreg s1  }
0x12: {  	s7 =	sadd.s32 $0x3800, s0;
	s8 =	sadd.s32 $0x3000, s0;
	s9 =	sadd.s32 $0x2800, s0  }
0x13: {  	s10 =	sadd.s32 $0x2000, s0;
	s11 =	sadd.s32 $0x1800, s0;
	s12 =	sadd.s32 $0x1000, s0  }
0x14: {  	s13 =	sadd.s32 $0x800, s0;
	s1 =	simm.s32 $0x40;
	s0 =	simm.s32 $0x2  }
.LBB2_4:
0x15: {  	s4 =	rddreg [dreg:$0x6]  }
0x16: {  	s2 =	rddreg [dreg:$0x5];
	s4 =	sadd.s32 $0x1, s4  }
0x17: {  	p0 =	sne.s32 s4, s2  }
.Ltmp1:
0x18: {  	_ = 	snop;
	(pc) =	sbr.rel @!p0 .LBB2_5-.Ltmp1, $1  }
0x19: {  	_ =	sdelay $0x3  }
.LBB2_1:
0x1a: {  	[dreg:$0x6] =	wrdreg s4  }
0x1b: {  	s2 =	simm.s32 $0x0;
	s16 =	rddreg [dreg:$0x4]  }
0x1c: {  	[tilespmem:s2], [sflag:$0x9] =	stream.linear.gather [hbm4b:s16+s2], $0x6400, $0x38;
	[tilespmem:$0x16400] =	vst v63  }
0x1d: {  	_ =	swait.ge [sflag:s14], $0x6400  }
0x1e: {  	[sflag:s14] =	ssyncset.done $0x0  }
0x1f: {  	s17 =	simm.s32 $0x6400;
	[sflag:s14] =	ssyncadd.s32 $0xFFFF9C00  }
0x20: {  	[tilespmem:s17], [sflag:$0x1] =	stream.indirect.gather [hbm4b:s3+s15], $0x40, s2, s15, $0xb8;
	[tilespmem:$0x16400] =	vst v63  }
0x21: {  	s5 =	simm.s32 $0x8400  }
0x22: {  	[tilespmem:s5], [sflag:$0x2] =	stream.indirect.gather [hbm4b:s3+s15], $0x40, s15, s15, $0xb8;
	[tilespmem:$0x16400] =	vst v63  }
0x23: {  	s16 =	simm.s32 $0x100  }
0x24: {  	[tilespmem:s19], [sflag:$0x3] =	stream.indirect.gather [hbm4b:s3+s15], $0x40, s16, s15, $0xb8;
	[tilespmem:$0x16400] =	vst v63  }
0x25: {  	s17 =	simm.s32 $0x180  }
0x26: {  	[tilespmem:s21], [sflag:$0x4] =	stream.indirect.gather [hbm4b:s3+s15], $0x40, s17, s15, $0xb8;
	[tilespmem:$0x16400] =	vst v63  }
0x27: {  	s4 =	simm.s32 $0x200  }
0x28: {  	[tilespmem:s23], [sflag:$0x5] =	stream.indirect.gather [hbm4b:s3+s15], $0x40, s4, s15, $0xb8;
	[tilespmem:$0x16400] =	vst v63  }
0x29: {  	s5 =	simm.s32 $0x280  }
0x2a: {  	[tilespmem:s25], [sflag:$0x6] =	stream.indirect.gather [hbm4b:s3+s15], $0x40, s5, s15, $0xb8;
	[tilespmem:$0x16400] =	vst v63  }
0x2b: {  	s16 =	simm.s32 $0x300  }
0x2c: {  	[tilespmem:s28], [sflag:$0x7] =	stream.indirect.gather [hbm4b:s3+s15], $0x40, s16, s15, $0xb8;
	[tilespmem:$0x16400] =	vst v63  }
0x2d: {  	s17 =	simm.s32 $0x380;
	s4 =	simm.s32 $0x400;
	s5 =	simm.s32 $0x0  }
0x2e: {  	[tilespmem:s30], [sflag:$0x8] =	stream.indirect.gather [hbm4b:s3+s15], $0x40, s17, s15, $0xb8;
	[tilespmem:$0x16400] =	vst v63  }
.LBB2_2:
0x2f: {  	_ =	swait.ge [sflag:s31], $0x2000  }
0x30: {  	[sflag:s31] =	ssyncset.done $0x0  }
0x31: {  	s2 =	sadd.s32 s5, s6;
	s16 =	simm.s32 $0x6400;
	[sflag:s31] =	ssyncadd.s32 $0xFFFFE000  }
0x32: {  	[hbm4b:s2+s1] =	stream.strided.scatter [tilespmem:s16], [sflag:$0x9], $0x2000, s15, s1, $0x38;
	[tilespmem:$0x16400] =	vst v63  }
0x33: {  	_ =	swait.ge [sflag:s14], $0x2000  }
0x34: {  	p0 =	seq.s32 s5, $0x60000;
	[sflag:s14] =	ssyncset.done $0x0  }
0x35: {  	s2 =	simm.s32 @!p0 $0x80;
	s16 =	simm.s32 @!p0 $0x6400;
	[sflag:s14] =	ssyncadd.s32 $0xFFFFE000  }
0x36: {  	[tilespmem:s16], [sflag:$0x1] =	stream.indirect.gather @!p0 [hbm4b:s3+s2], $0x40, s4, s2, $0xb8;
	[tilespmem:$0x16400] =	vst v63  }
0x37: {  	_ =	swait.ge [sflag:s0], $0x2000  }
0x38: {  	[sflag:s0] =	ssyncset.done $0x0  }
0x39: {  	s17 =	simm.s32 $0x8400;
	s16 =	sadd.s32 s5, s13;
	[sflag:s0] =	ssyncadd.s32 $0xFFFFE000  }
0x3a: {  	[hbm4b:s16+s1] =	stream.strided.scatter [tilespmem:s17], [sflag:$0x9], $0x2000, s15, s1, $0x38;
	[tilespmem:$0x16400] =	vst v63  }
0x3b: {  	_ =	swait.ge [sflag:s14], $0x2000  }
0x3c: {  	[sflag:s14] =	ssyncset.done $0x0  }
0x3d: {  	s16 =	sadd.s32 @!p0 $0x80, s4;
	s17 =	simm.s32 @!p0 $0x8400;
	[sflag:s14] =	ssyncadd.s32 $0xFFFFE000  }
0x3e: {  	[tilespmem:s17], [sflag:$0x2] =	stream.indirect.gather @!p0 [hbm4b:s3+s2], $0x40, s16, s2, $0xb8;
	[tilespmem:$0x16400] =	vst v63  }
0x3f: {  	_ =	swait.ge [sflag:s18], $0x2000  }
0x40: {  	[sflag:s18] =	ssyncset.done $0x0  }
0x41: {  	s17 =	sadd.s32 s5, s12;
	[sflag:s18] =	ssyncadd.s32 $0xFFFFE000  }
0x42: {  	[hbm4b:s17+s1] =	stream.strided.scatter [tilespmem:s19], [sflag:$0x9], $0x2000, s15, s1, $0x38;
	[tilespmem:$0x16400] =	vst v63  }
0x43: {  	_ =	swait.ge [sflag:s14], $0x2000  }
0x44: {  	[sflag:s14] =	ssyncset.done $0x0  }
0x45: {  	s16 =	sadd.s32 @!p0 $0x100, s4;
	s17 =	simm.s32 @!p0 $0xA400;
	[sflag:s14] =	ssyncadd.s32 $0xFFFFE000  }
0x46: {  	[tilespmem:s17], [sflag:$0x3] =	stream.indirect.gather @!p0 [hbm4b:s3+s2], $0x40, s16, s2, $0xb8;
	[tilespmem:$0x16400] =	vst v63  }
0x47: {  	_ =	swait.ge [sflag:s20], $0x2000  }
0x48: {  	[sflag:s20] =	ssyncset.done $0x0  }
0x49: {  	s17 =	sadd.s32 s5, s11;
	[sflag:s20] =	ssyncadd.s32 $0xFFFFE000  }
0x4a: {  	[hbm4b:s17+s1] =	stream.strided.scatter [tilespmem:s21], [sflag:$0x9], $0x2000, s15, s1, $0x38;
	[tilespmem:$0x16400] =	vst v63  }
0x4b: {  	_ =	swait.ge [sflag:s14], $0x2000  }
0x4c: {  	[sflag:s14] =	ssyncset.done $0x0  }
0x4d: {  	s16 =	sadd.s32 @!p0 $0x180, s4;
	s17 =	simm.s32 @!p0 $0xC400;
	[sflag:s14] =	ssyncadd.s32 $0xFFFFE000  }
0x4e: {  	[tilespmem:s17], [sflag:$0x4] =	stream.indirect.gather @!p0 [hbm4b:s3+s2], $0x40, s16, s2, $0xb8;
	[tilespmem:$0x16400] =	vst v63  }
0x4f: {  	_ =	swait.ge [sflag:s22], $0x2000  }
0x50: {  	[sflag:s22] =	ssyncset.done $0x0  }
0x51: {  	s17 =	sadd.s32 s5, s10;
	[sflag:s22] =	ssyncadd.s32 $0xFFFFE000  }
0x52: {  	[hbm4b:s17+s1] =	stream.strided.scatter [tilespmem:s23], [sflag:$0x9], $0x2000, s15, s1, $0x38;
	[tilespmem:$0x16400] =	vst v63  }
0x53: {  	_ =	swait.ge [sflag:s14], $0x2000  }
0x54: {  	[sflag:s14] =	ssyncset.done $0x0  }
0x55: {  	s16 =	sadd.s32 @!p0 $0x200, s4;
	s17 =	simm.s32 @!p0 $0xE400;
	[sflag:s14] =	ssyncadd.s32 $0xFFFFE000  }
0x56: {  	[tilespmem:s17], [sflag:$0x5] =	stream.indirect.gather @!p0 [hbm4b:s3+s2], $0x40, s16, s2, $0xb8;
	[tilespmem:$0x16400] =	vst v63  }
0x57: {  	_ =	swait.ge [sflag:s24], $0x2000  }
0x58: {  	[sflag:s24] =	ssyncset.done $0x0  }
0x59: {  	s17 =	sadd.s32 s5, s9;
	[sflag:s24] =	ssyncadd.s32 $0xFFFFE000  }
0x5a: {  	[hbm4b:s17+s1] =	stream.strided.scatter [tilespmem:s25], [sflag:$0x9], $0x2000, s15, s1, $0x38;
	[tilespmem:$0x16400] =	vst v63  }
0x5b: {  	_ =	swait.ge [sflag:s14], $0x2000  }
0x5c: {  	[sflag:s14] =	ssyncset.done $0x0  }
0x5d: {  	s16 =	sadd.s32 @!p0 $0x280, s4;
	s17 =	simm.s32 @!p0 $0x10400;
	[sflag:s14] =	ssyncadd.s32 $0xFFFFE000  }
0x5e: {  	[tilespmem:s17], [sflag:$0x6] =	stream.indirect.gather @!p0 [hbm4b:s3+s2], $0x40, s16, s2, $0xb8;
	[tilespmem:$0x16400] =	vst v63  }
0x5f: {  	_ =	swait.ge [sflag:s26], $0x2000  }
0x60: {  	[sflag:s26] =	ssyncset.done $0x0  }
0x61: {  	s17 =	sadd.s32 s5, s8;
	[sflag:s26] =	ssyncadd.s32 $0xFFFFE000  }
0x62: {  	[hbm4b:s17+s1] =	stream.strided.scatter [tilespmem:s28], [sflag:$0x9], $0x2000, s15, s1, $0x38;
	[tilespmem:$0x16400] =	vst v63  }
0x63: {  	_ =	swait.ge [sflag:s14], $0x2000  }
0x64: {  	[sflag:s14] =	ssyncset.done $0x0  }
0x65: {  	s16 =	sadd.s32 @!p0 $0x300, s4;
	s17 =	simm.s32 @!p0 $0x12400;
	[sflag:s14] =	ssyncadd.s32 $0xFFFFE000  }
0x66: {  	[tilespmem:s17], [sflag:$0x7] =	stream.indirect.gather @!p0 [hbm4b:s3+s2], $0x40, s16, s2, $0xb8;
	[tilespmem:$0x16400] =	vst v63  }
0x67: {  	_ =	swait.ge [sflag:s29], $0x2000  }
0x68: {  	[sflag:s29] =	ssyncset.done $0x0  }
.Ltmp2:
0x69: {  	s17 =	sadd.s32 s5, s7;
	[sflag:s29] =	ssyncadd.s32 $0xFFFFE000;
	(pc) =	sbr.rel @p0 .LBB2_4-.Ltmp2, $4  }
0x6a: {  	[hbm4b:s17+s1] =	stream.strided.scatter [tilespmem:s30], [sflag:$0x9], $0x2000, s15, s1, $0x38;
	[tilespmem:$0x16400] =	vst v63  }
0x6b: {  	_ =	swait.ge [sflag:s14], $0x2000  }
0x6c: {  	[sflag:s14] =	ssyncset.done $0x0  }
0x6d: {  	[sflag:s14] =	ssyncadd.s32 $0xFFFFE000  }
.Ltmp3:
0x6e: {  	(pc) =	sbr.rel .LBB2_2-.Ltmp3, $3  }
0x6f: {  	_ =	sdelay $0x1  }
0x70: {  	s2 =	sadd.s32 $0x380, s4;
	s5 =	sadd.s32 $0x4000, s5;
	s4 =	sadd.s32 $0x400, s4  }
0x71: {  	[tilespmem:s30], [sflag:$0x8] =	stream.indirect.gather [hbm4b:s3+s15], $0x40, s2, s15, $0xb8;
	[tilespmem:$0x16400] =	vst v63  }
.LBB2_5:
0x72: {  	_ =	sfence.sel $0x180000  }
0x73: {  	[bflag:$0x0] =	sbarrier.arrive $0xFFFF  }
0x74: {  	_ =	strace $0x90000047  }
0x75: {  	s0 =	stileid.u32;
	[bflag:$0x2] =	sbarrier.arrive $0xFFFF  }
0x76: {  	p0 =	sne.s32 s0, $0x0;
	s0 =	rddreg [dreg:$0x3]  }
0x77: {  	s0 =	sadd.s32 @!p0 $0x100000, s0  }
0x78: {  	[sflag:s0] =	ssyncadd.tile.s32 @!p0 $0x1;
	_ =	shalt  }
.Lfunc_end2:
_tile_overlayer_lowered:
.L_overlay_start_2:
0x79: {  	(tag) =	ssettag $0x2  }
0x7a: {  	s0 =	rddreg [dreg:$0x0];
	s2 =	stileid.u32  }
0x7b: {  	s1 =	rddreg [dreg:$0x1];
	p0 =	sne.s32 s2, $0x0  }
0x7c: {  	s3 =	rddreg [dreg:$0x2];
	[bflag:$0x3] =	sbarrier.arrive $0xFFFF;
	s2 =	simm.s32 @!p0 $0x1C09  }
0x7d: {  	[timem:s3], [sflag:s2] =	dma.local @!p0 [hbm:s0], s1  }
0x7e: {  	s0 =	simm.s32 @!p0 $0x9  }
0x7f: {  	_ =	swait.ge @!p0 [sflag:s0], s1  }
0x80: {  	s1 =	ssub.s32 @!p0 $0x0, s1;
	[sflag:s0] =	ssyncset.done @!p0 $0x0  }
0x81: {  	[sflag:s0] =	ssyncadd.s32 @!p0 s1  }
0x82: {  	[bflag:$0x3] =	sbarrier.arrive $0xFFFF  }
0x83: {  	_ =	shalt  }

</sc_bundles>
